<compile_context>
chip_gen: v7x
topology: tpu7x:2x2x1
jax: 0.10.2.dev20260603
libtpu: 0.0.44.dev20260713+nightly
codegen_flags: <defaults>
</compile_context>

<pallas_src>
import functools

import jax
import jax.numpy as jnp
from jax import lax
from jax.experimental import pallas as pl
from jax.experimental.pallas import tpu as pltpu
from jax.experimental.pallas import tpu_sc as plsc


def _matmul_body(c_ref, w_ref, o_ref):
    o_ref[...] = jnp.dot(c_ref[...], w_ref[...],
                         preferred_element_type=jnp.float32)


def _basis_matmul(coeff, W):
    num_rels, _ = coeff.shape
    hidden = W.shape[1]
    return pl.pallas_call(
        _matmul_body,
        out_shape=jax.ShapeDtypeStruct((num_rels, hidden), jnp.float32),
    )(coeff, W)


@functools.cache
def _make_gather(E, D, V, NC, NS, chunk, nchunks):
    NW = NC * NS
    per = E // NW
    mesh = plsc.VectorSubcoreMesh(core_axis_name="c", subcore_axis_name="s")

    NBUF = 6
    PRE = 3

    @functools.partial(
        pl.kernel,
        mesh=mesh,
        compiler_params=pltpu.CompilerParams(use_tc_tiling_on_sc=False),
        out_type=jax.ShapeDtypeStruct((E, 2 * D), jnp.float32),
        scratch_types=[
            pltpu.VMEM((per,), jnp.int32),
            pltpu.VMEM_SHARED((V, D), jnp.float32),
        ] + [pltpu.VMEM((chunk, D), jnp.float32) for _ in range(NBUF)]
          + [pltpu.SemaphoreType.DMA for _ in range(2 * NBUF)],
    )
    def gather_kernel(idx_hbm, table_hbm, out_hbm, idx_v, tab_s,
                      *bufs_sems):
        bufs = bufs_sems[:NBUF]
        gsem = bufs_sems[NBUF:2 * NBUF]
        wsem = bufs_sems[2 * NBUF:]
        wid = lax.axis_index("s") * NC + lax.axis_index("c")
        base = wid * per

        @pl.when(lax.axis_index("s") == 0)
        def _():
            pltpu.sync_copy(table_hbm, tab_s)
        plsc.subcore_barrier()

        pltpu.sync_copy(idx_hbm.at[pl.ds(base, per)], idx_v)

        def fire_gather(j, b):
            @pl.when(j % 5 == 4)
            def _():
                pltpu.async_copy(
                    table_hbm.at[idx_v.at[pl.ds(j * chunk, chunk)]],
                    bufs[b], gsem[b])

            @pl.when(j % 5 != 4)
            def _():
                pltpu.async_copy(
                    tab_s.at[idx_v.at[pl.ds(j * chunk, chunk)]],
                    bufs[b], gsem[b])

        for j in range(min(PRE, nchunks)):
            fire_gather(j, j % NBUF)

        def body(j, carry):
            for i in range(NBUF):
                @pl.when(j % NBUF == i)
                def _():
                    bn = (i + PRE) % NBUF

                    @pl.when(j + PRE < nchunks)
                    def _():
                        @pl.when(j + PRE >= NBUF)
                        def _():
                            pltpu.make_async_copy(
                                bufs[bn],
                                out_hbm.at[pl.ds(base, chunk), pl.ds(0, D)],
                                wsem[bn]).wait()
                        fire_gather(j + PRE, bn)

                    pltpu.make_async_copy(
                        tab_s.at[idx_v.at[pl.ds(0, chunk)]],
                        bufs[i], gsem[i]).wait()
                    pltpu.async_copy(
                        bufs[i],
                        out_hbm.at[pl.ds(base + j * chunk, chunk),
                                   pl.ds(0, D)],
                        wsem[i])
            return carry

        lax.fori_loop(0, nchunks, body, 0)

        for i in range(min(NBUF, nchunks)):
            pltpu.make_async_copy(
                bufs[i], out_hbm.at[pl.ds(base, chunk), pl.ds(0, D)],
                wsem[i]).wait()

    return gather_kernel


def kernel(etype, coeff, W):
    E = etype.shape[0]
    D = W.shape[1]
    info = plsc.get_sparse_core_info()
    NC, NS = info.num_cores, info.num_subcores
    NW = NC * NS
    per = E // NW
    assert per * NW == E
    chunk = 8
    for c in range(8, 401, 8):
        if per % c == 0:
            chunk = c
    nchunks = per // chunk

    w = _basis_matmul(coeff, W)
    idx = etype.astype(jnp.int32)
    out = _make_gather(E, D, coeff.shape[0], NC, NS, chunk, nchunks)(idx, w)
    return out[:, :D]

# --- scband reference (transcript-rebuilt; emitter-appended) ---
"""Pipeline reference for scband-type-embedding-12240656794089 (READ-ONLY COPY).

The authoritative reference and input builder live on the scoring server;
editing this copy changes nothing except your own understanding.
"""

import jax, jax.numpy as jnp
import numpy as np


def setup_inputs(seed: int = 0) -> dict:
    key = jax.random.key(seed)
    k1, k2, k3 = jax.random.split(key, 3)
    E = 800000
    num_rels, num_bases, hidden_dim = 1000, 64, 64
    etype = jax.random.randint(k1, (E,), 0, num_rels, dtype=jnp.int64)
    # xavier_uniform with tanh gain for coeff
    gain = 5.0 / 3.0
    bound_c = gain * np.sqrt(6.0 / (num_rels + num_bases))
    coeff = jax.random.uniform(k2, (num_rels, num_bases), minval=-bound_c, maxval=bound_c, dtype=jnp.float32)
    bound_w = 1.0 / np.sqrt(hidden_dim)
    W = jax.random.uniform(k3, (num_bases, hidden_dim), minval=-bound_w, maxval=bound_w, dtype=jnp.float32)
    return {"etype": etype, "coeff": coeff, "W": W}


def reference(etype, coeff, W):
    # w = coeff @ W  (basis decomposition), then embedding gather by relation type
    w = coeff @ W
    return jnp.take(w, etype.astype(jnp.int32), axis=0)

if __name__ == "__main__":
    import jax
    _d = setup_inputs()
    print(jax.jit(kernel)(*tuple(_d.values())))

</pallas_src>

<mosaic_0001>
#map = affine_map<(d0, d1) -> (0)>
#map1 = affine_map<(d0, d1) -> (0, 0)>
module attributes {stable_mosaic.version = 14 : i64} {
  func.func @gather_kernel(%arg0: i32, %arg1: i32, %arg2: memref<800000xi32, #tpu.memory_space<hbm>>, %arg3: memref<1000x64xf32, #tpu.memory_space<hbm>>, %arg4: memref<800000x128xf32, #tpu.memory_space<hbm>>, %arg5: memref<25000xi32, #tpu.memory_space<vmem>>, %arg6: memref<1000x64xf32, #tpu.memory_space<vmem_shared>>, %arg7: memref<200x64xf32, #tpu.memory_space<vmem>>, %arg8: memref<200x64xf32, #tpu.memory_space<vmem>>, %arg9: memref<200x64xf32, #tpu.memory_space<vmem>>, %arg10: memref<200x64xf32, #tpu.memory_space<vmem>>, %arg11: memref<200x64xf32, #tpu.memory_space<vmem>>, %arg12: memref<200x64xf32, #tpu.memory_space<vmem>>, %arg13: memref<!tpu.dma_semaphore, #tpu.memory_space<semaphore_mem>>, %arg14: memref<!tpu.dma_semaphore, #tpu.memory_space<semaphore_mem>>, %arg15: memref<!tpu.dma_semaphore, #tpu.memory_space<semaphore_mem>>, %arg16: memref<!tpu.dma_semaphore, #tpu.memory_space<semaphore_mem>>, %arg17: memref<!tpu.dma_semaphore, #tpu.memory_space<semaphore_mem>>, %arg18: memref<!tpu.dma_semaphore, #tpu.memory_space<semaphore_mem>>, %arg19: memref<!tpu.dma_semaphore, #tpu.memory_space<semaphore_mem>>, %arg20: memref<!tpu.dma_semaphore, #tpu.memory_space<semaphore_mem>>, %arg21: memref<!tpu.dma_semaphore, #tpu.memory_space<semaphore_mem>>, %arg22: memref<!tpu.dma_semaphore, #tpu.memory_space<semaphore_mem>>, %arg23: memref<!tpu.dma_semaphore, #tpu.memory_space<semaphore_mem>>, %arg24: memref<!tpu.dma_semaphore, #tpu.memory_space<semaphore_mem>>) attributes {dimension_semantics = [#tpu.dimension_semantics<core_parallel>, #tpu.dimension_semantics<subcore_parallel>], iteration_bounds = array<i64: 2, 16>, scalar_prefetch = 0 : i64, scratch_operands = 20 : i64, tpu.core_type = #tpu.core_type<sc_vector_subcore>, window_params = [{transform_indices = #map}, {transform_indices = #map1}, {transform_indices = #map1}]} {
    %mul3A = arith.constant 2 : i32
    %mul3A_0 = arith.muli %arg1, %mul3A : i32
    %add3A = arith.addi %mul3A_0, %arg0 : i32
    %mul3A_1 = arith.constant 25000 : i32
    %mul3A_2 = arith.muli %add3A, %mul3A_1 : i32
    %eq3A = arith.constant 0 : i32
    %eq3A_3 = arith.cmpi eq, %arg1, %eq3A : i32
    %convert_element_type3A = arith.extui %eq3A_3 : i1 to i32
    %cond3A = arith.constant 0 : i32
    %cond3A_4 = arith.cmpi ne, %convert_element_type3A, %cond3A : i32
    scf.if %cond3A_4 {
      "tpu.region"() ({
        %run_scoped3A = tpu.sem_alloc : memref<!tpu.dma_semaphore, #tpu.memory_space<semaphore_mem>>
        tpu.enqueue_dma source(%arg3 : memref<1000x64xf32, #tpu.memory_space<hbm>>) target(%arg6 : memref<1000x64xf32, #tpu.memory_space<vmem_shared>>) target_semaphore(%run_scoped3A : memref<!tpu.dma_semaphore, #tpu.memory_space<semaphore_mem>>)
        tpu.wait_dma2 semaphore(%run_scoped3A : memref<!tpu.dma_semaphore, #tpu.memory_space<semaphore_mem>>) src(%arg3 : memref<1000x64xf32, #tpu.memory_space<hbm>>) dst(%arg6 : memref<1000x64xf32, #tpu.memory_space<vmem_shared>>)
        tpu.yield
      }) : () -> ()
    } else {
    }
    %barrier3A = arith.constant 0 : index
    tpu.barrier barrier_id(%barrier3A)
    "tpu.region"() ({
      %run_scoped3A = tpu.sem_alloc : memref<!tpu.dma_semaphore, #tpu.memory_space<semaphore_mem>>
      %dma_start3A_47 = tpu.memref_slice %arg2[%mul3A_2] : memref<800000xi32, #tpu.memory_space<hbm>> -> memref<25000xi32, #tpu.memory_space<hbm>>
      %dma_start3A_48 = tpu.memref_slice %arg2[%mul3A_2] : memref<800000xi32, #tpu.memory_space<hbm>> -> memref<25000xi32, #tpu.memory_space<hbm>>
      tpu.enqueue_dma source(%dma_start3A_48 : memref<25000xi32, #tpu.memory_space<hbm>>) target(%arg5 : memref<25000xi32, #tpu.memory_space<vmem>>) target_semaphore(%run_scoped3A : memref<!tpu.dma_semaphore, #tpu.memory_space<semaphore_mem>>)
      %dma_wait3A_49 = tpu.memref_slice %arg2[%mul3A_2] : memref<800000xi32, #tpu.memory_space<hbm>> -> memref<25000xi32, #tpu.memory_space<hbm>>
      %dma_wait3A_50 = tpu.memref_slice %arg2[%mul3A_2] : memref<800000xi32, #tpu.memory_space<hbm>> -> memref<25000xi32, #tpu.memory_space<hbm>>
      tpu.wait_dma2 semaphore(%run_scoped3A : memref<!tpu.dma_semaphore, #tpu.memory_space<semaphore_mem>>) src(%dma_wait3A_50 : memref<25000xi32, #tpu.memory_space<hbm>>) dst(%arg5 : memref<25000xi32, #tpu.memory_space<vmem>>)
      tpu.yield
    }) : () -> ()
    %dma_start3A = arith.constant 0 : i32
    %dma_start3A_5 = tpu.memref_slice %arg5[%dma_start3A] : memref<25000xi32, #tpu.memory_space<vmem>> -> memref<200xi32, #tpu.memory_space<vmem>>
    %dma_start3A_6 = arith.constant 0 : i32
    %dma_start3A_7 = arith.constant 0 : i32
    %dma_start3A_8 = tpu.memref_slice %arg6[%dma_start3A_6, %dma_start3A_7] : memref<1000x64xf32, #tpu.memory_space<vmem_shared>> -> memref<1000x64xf32, #tpu.memory_space<vmem_shared>>
    tpu.enqueue_indirect_dma source(%dma_start3A_8 : memref<1000x64xf32, #tpu.memory_space<vmem_shared>>) target(%arg7 : memref<200x64xf32, #tpu.memory_space<vmem>>) offsets(%dma_start3A_5 : memref<200xi32, #tpu.memory_space<vmem>>) semaphore(%arg13 : memref<!tpu.dma_semaphore, #tpu.memory_space<semaphore_mem>>)
    %dma_start3A_9 = arith.constant 200 : i32
    %dma_start3A_10 = tpu.memref_slice %arg5[%dma_start3A_9] : memref<25000xi32, #tpu.memory_space<vmem>> -> memref<200xi32, #tpu.memory_space<vmem>>
    %dma_start3A_11 = arith.constant 0 : i32
    %dma_start3A_12 = arith.constant 0 : i32
    %dma_start3A_13 = tpu.memref_slice %arg6[%dma_start3A_11, %dma_start3A_12] : memref<1000x64xf32, #tpu.memory_space<vmem_shared>> -> memref<1000x64xf32, #tpu.memory_space<vmem_shared>>
    tpu.enqueue_indirect_dma source(%dma_start3A_13 : memref<1000x64xf32, #tpu.memory_space<vmem_shared>>) target(%arg8 : memref<200x64xf32, #tpu.memory_space<vmem>>) offsets(%dma_start3A_10 : memref<200xi32, #tpu.memory_space<vmem>>) semaphore(%arg14 : memref<!tpu.dma_semaphore, #tpu.memory_space<semaphore_mem>>)
    %dma_start3A_14 = arith.constant 400 : i32
    %dma_start3A_15 = tpu.memref_slice %arg5[%dma_start3A_14] : memref<25000xi32, #tpu.memory_space<vmem>> -> memref<200xi32, #tpu.memory_space<vmem>>
    %dma_start3A_16 = arith.constant 0 : i32
    %dma_start3A_17 = arith.constant 0 : i32
    %dma_start3A_18 = tpu.memref_slice %arg6[%dma_start3A_16, %dma_start3A_17] : memref<1000x64xf32, #tpu.memory_space<vmem_shared>> -> memref<1000x64xf32, #tpu.memory_space<vmem_shared>>
    tpu.enqueue_indirect_dma source(%dma_start3A_18 : memref<1000x64xf32, #tpu.memory_space<vmem_shared>>) target(%arg9 : memref<200x64xf32, #tpu.memory_space<vmem>>) offsets(%dma_start3A_15 : memref<200xi32, #tpu.memory_space<vmem>>) semaphore(%arg15 : memref<!tpu.dma_semaphore, #tpu.memory_space<semaphore_mem>>)
    %scan3A = arith.constant 0 : i32
    %scan3A_19 = arith.constant 0 : i32
    %scan3A_20 = arith.constant 125 : i32
    %scan3A_21 = arith.addi %scan3A_19, %scan3A_20 : i32
    %scan3A_22 = arith.constant 1 : i32
    scf.for %scan3A_47 = %scan3A_19 to %scan3A_21 step %scan3A_22  : i32 {
      %jit3A = arith.constant 6 : i32
      %eq3A_48 = arith.constant 0 : i32
      %eq3A_49 = arith.cmpi eq, %jit3A, %eq3A_48 : i32
      %jit3A_50 = arith.constant 1 : i32
      %select_n3A = arith.select %eq3A_49, %jit3A_50, %jit3A : i32
      %rem3A = arith.remsi %scan3A_47, %select_n3A : i32
      %ne3A = arith.constant 0 : i32
      %ne3A_51 = arith.cmpi ne, %rem3A, %ne3A : i32
      %lt3A = arith.constant 0 : i32
      %lt3A_52 = arith.cmpi slt, %rem3A, %lt3A : i32
      %lt3A_53 = arith.constant 0 : i32
      %lt3A_54 = arith.cmpi slt, %select_n3A, %lt3A_53 : i32
      %ne3A_55 = arith.xori %lt3A_52, %lt3A_54 : i1
      %and3A = arith.andi %ne3A_55, %ne3A_51 : i1
      %add3A_56 = arith.addi %rem3A, %select_n3A : i32
      %select_n3A_57 = arith.select %and3A, %add3A_56, %rem3A : i32
      %eq3A_58 = arith.constant 0 : i32
      %eq3A_59 = arith.cmpi eq, %select_n3A_57, %eq3A_58 : i32
      %convert_element_type3A_60 = arith.extui %eq3A_59 : i1 to i32
      %cond3A_61 = arith.constant 0 : i32
      %cond3A_62 = arith.cmpi ne, %convert_element_type3A_60, %cond3A_61 : i32
      scf.if %cond3A_62 {
        %add3A_168 = arith.constant 3 : i32
        %add3A_169 = arith.addi %scan3A_47, %add3A_168 : i32
        %lt3A_170 = arith.constant 125 : i32
        %lt3A_171 = arith.cmpi slt, %add3A_169, %lt3A_170 : i32
        %convert_element_type3A_172 = arith.extui %lt3A_171 : i1 to i32
        %cond3A_173 = arith.constant 0 : i32
        %cond3A_174 = arith.cmpi ne, %convert_element_type3A_172, %cond3A_173 : i32
        scf.if %cond3A_174 {
          %add3A_187 = arith.constant 3 : i32
          %add3A_188 = arith.addi %scan3A_47, %add3A_187 : i32
          %ge3A = arith.constant 6 : i32
          %ge3A_189 = arith.cmpi sge, %add3A_188, %ge3A : i32
          %convert_element_type3A_190 = arith.extui %ge3A_189 : i1 to i32
          %cond3A_191 = arith.constant 0 : i32
          %cond3A_192 = arith.cmpi ne, %convert_element_type3A_190, %cond3A_191 : i32
          scf.if %cond3A_192 {
            %dma_wait3A_237 = arith.constant 0 : i32
            %dma_wait3A_238 = tpu.memref_slice %arg4[%mul3A_2, %dma_wait3A_237] : memref<800000x128xf32, #tpu.memory_space<hbm>> -> memref<200x64xf32, #tpu.memory_space<hbm>>
            %dma_wait3A_239 = arith.constant 0 : i32
            %dma_wait3A_240 = tpu.memref_slice %arg4[%mul3A_2, %dma_wait3A_239] : memref<800000x128xf32, #tpu.memory_space<hbm>> -> memref<200x64xf32, #tpu.memory_space<hbm>>
            tpu.wait_dma2 semaphore(%arg22 : memref<!tpu.dma_semaphore, #tpu.memory_space<semaphore_mem>>) src(%arg10 : memref<200x64xf32, #tpu.memory_space<vmem>>) dst(%dma_wait3A_240 : memref<200x64xf32, #tpu.memory_space<hbm>>)
          } else {
          }
          %add3A_193 = arith.constant 3 : i32
          %add3A_194 = arith.addi %scan3A_47, %add3A_193 : i32
          %jit3A_195 = arith.constant 5 : i32
          %eq3A_196 = arith.constant 0 : i32
          %eq3A_197 = arith.cmpi eq, %jit3A_195, %eq3A_196 : i32
          %jit3A_198 = arith.constant 1 : i32
          %select_n3A_199 = arith.select %eq3A_197, %jit3A_198, %jit3A_195 : i32
          %rem3A_200 = arith.remsi %add3A_194, %select_n3A_199 : i32
          %ne3A_201 = arith.constant 0 : i32
          %ne3A_202 = arith.cmpi ne, %rem3A_200, %ne3A_201 : i32
          %lt3A_203 = arith.constant 0 : i32
          %lt3A_204 = arith.cmpi slt, %rem3A_200, %lt3A_203 : i32
          %lt3A_205 = arith.constant 0 : i32
          %lt3A_206 = arith.cmpi slt, %select_n3A_199, %lt3A_205 : i32
          %ne3A_207 = arith.xori %lt3A_204, %lt3A_206 : i1
          %and3A_208 = arith.andi %ne3A_207, %ne3A_202 : i1
          %add3A_209 = arith.addi %rem3A_200, %select_n3A_199 : i32
          %select_n3A_210 = arith.select %and3A_208, %add3A_209, %rem3A_200 : i32
          %eq3A_211 = arith.constant 4 : i32
          %eq3A_212 = arith.cmpi eq, %select_n3A_210, %eq3A_211 : i32
          %convert_element_type3A_213 = arith.extui %eq3A_212 : i1 to i32
          %cond3A_214 = arith.constant 0 : i32
          %cond3A_215 = arith.cmpi ne, %convert_element_type3A_213, %cond3A_214 : i32
          scf.if %cond3A_215 {
            %mul3A_237 = arith.constant 200 : i32
            %mul3A_238 = arith.muli %add3A_194, %mul3A_237 : i32
            %dma_start3A_239 = tpu.memref_slice %arg5[%mul3A_238] : memref<25000xi32, #tpu.memory_space<vmem>> -> memref<200xi32, #tpu.memory_space<vmem>>
            %dma_start3A_240 = arith.constant 0 : i32
            %dma_start3A_241 = arith.constant 0 : i32
            %dma_start3A_242 = tpu.memref_slice %arg3[%dma_start3A_240, %dma_start3A_241] : memref<1000x64xf32, #tpu.memory_space<hbm>> -> memref<1000x64xf32, #tpu.memory_space<hbm>>
            tpu.enqueue_indirect_dma source(%dma_start3A_242 : memref<1000x64xf32, #tpu.memory_space<hbm>>) target(%arg10 : memref<200x64xf32, #tpu.memory_space<vmem>>) offsets(%dma_start3A_239 : memref<200xi32, #tpu.memory_space<vmem>>) semaphore(%arg16 : memref<!tpu.dma_semaphore, #tpu.memory_space<semaphore_mem>>)
          } else {
          }
          %jit3A_216 = arith.constant 5 : i32
          %eq3A_217 = arith.constant 0 : i32
          %eq3A_218 = arith.cmpi eq, %jit3A_216, %eq3A_217 : i32
          %jit3A_219 = arith.constant 1 : i32
          %select_n3A_220 = arith.select %eq3A_218, %jit3A_219, %jit3A_216 : i32
          %rem3A_221 = arith.remsi %add3A_194, %select_n3A_220 : i32
          %ne3A_222 = arith.constant 0 : i32
          %ne3A_223 = arith.cmpi ne, %rem3A_221, %ne3A_222 : i32
          %lt3A_224 = arith.constant 0 : i32
          %lt3A_225 = arith.cmpi slt, %rem3A_221, %lt3A_224 : i32
          %lt3A_226 = arith.constant 0 : i32
          %lt3A_227 = arith.cmpi slt, %select_n3A_220, %lt3A_226 : i32
          %ne3A_228 = arith.xori %lt3A_225, %lt3A_227 : i1
          %and3A_229 = arith.andi %ne3A_228, %ne3A_223 : i1
          %add3A_230 = arith.addi %rem3A_221, %select_n3A_220 : i32
          %select_n3A_231 = arith.select %and3A_229, %add3A_230, %rem3A_221 : i32
          %ne3A_232 = arith.constant 4 : i32
          %ne3A_233 = arith.cmpi ne, %select_n3A_231, %ne3A_232 : i32
          %convert_element_type3A_234 = arith.extui %ne3A_233 : i1 to i32
          %cond3A_235 = arith.constant 0 : i32
          %cond3A_236 = arith.cmpi ne, %convert_element_type3A_234, %cond3A_235 : i32
          scf.if %cond3A_236 {
            %mul3A_237 = arith.constant 200 : i32
            %mul3A_238 = arith.muli %add3A_194, %mul3A_237 : i32
            %dma_start3A_239 = tpu.memref_slice %arg5[%mul3A_238] : memref<25000xi32, #tpu.memory_space<vmem>> -> memref<200xi32, #tpu.memory_space<vmem>>
            %dma_start3A_240 = arith.constant 0 : i32
            %dma_start3A_241 = arith.constant 0 : i32
            %dma_start3A_242 = tpu.memref_slice %arg6[%dma_start3A_240, %dma_start3A_241] : memref<1000x64xf32, #tpu.memory_space<vmem_shared>> -> memref<1000x64xf32, #tpu.memory_space<vmem_shared>>
            tpu.enqueue_indirect_dma source(%dma_start3A_242 : memref<1000x64xf32, #tpu.memory_space<vmem_shared>>) target(%arg10 : memref<200x64xf32, #tpu.memory_space<vmem>>) offsets(%dma_start3A_239 : memref<200xi32, #tpu.memory_space<vmem>>) semaphore(%arg16 : memref<!tpu.dma_semaphore, #tpu.memory_space<semaphore_mem>>)
          } else {
          }
        } else {
        }
        %dma_wait3A_175 = arith.constant 0 : i32
        %dma_wait3A_176 = tpu.memref_slice %arg5[%dma_wait3A_175] : memref<25000xi32, #tpu.memory_space<vmem>> -> memref<200xi32, #tpu.memory_space<vmem>>
        %dma_wait3A_177 = arith.constant 0 : i32
        %dma_wait3A_178 = arith.constant 0 : i32
        %dma_wait3A_179 = tpu.memref_slice %arg6[%dma_wait3A_177, %dma_wait3A_178] : memref<1000x64xf32, #tpu.memory_space<vmem_shared>> -> memref<1000x64xf32, #tpu.memory_space<vmem_shared>>
        tpu.wait_indirect_dma semaphore(%arg13 : memref<!tpu.dma_semaphore, #tpu.memory_space<semaphore_mem>>) src(%dma_wait3A_179 : memref<1000x64xf32, #tpu.memory_space<vmem_shared>>) dst(%arg7 : memref<200x64xf32, #tpu.memory_space<vmem>>)
        %mul3A_180 = arith.constant 200 : i32
        %mul3A_181 = arith.muli %scan3A_47, %mul3A_180 : i32
        %add3A_182 = arith.addi %mul3A_2, %mul3A_181 : i32
        %dma_start3A_183 = arith.constant 0 : i32
        %dma_start3A_184 = tpu.memref_slice %arg4[%add3A_182, %dma_start3A_183] : memref<800000x128xf32, #tpu.memory_space<hbm>> -> memref<200x64xf32, #tpu.memory_space<hbm>>
        %dma_start3A_185 = arith.constant 0 : i32
        %dma_start3A_186 = tpu.memref_slice %arg4[%add3A_182, %dma_start3A_185] : memref<800000x128xf32, #tpu.memory_space<hbm>> -> memref<200x64xf32, #tpu.memory_space<hbm>>
        tpu.enqueue_dma source(%arg7 : memref<200x64xf32, #tpu.memory_space<vmem>>) target(%dma_start3A_186 : memref<200x64xf32, #tpu.memory_space<hbm>>) target_semaphore(%arg19 : memref<!tpu.dma_semaphore, #tpu.memory_space<semaphore_mem>>)
      } else {
      }
      %jit3A_63 = arith.constant 6 : i32
      %eq3A_64 = arith.constant 0 : i32
      %eq3A_65 = arith.cmpi eq, %jit3A_63, %eq3A_64 : i32
      %jit3A_66 = arith.constant 1 : i32
      %select_n3A_67 = arith.select %eq3A_65, %jit3A_66, %jit3A_63 : i32
      %rem3A_68 = arith.remsi %scan3A_47, %select_n3A_67 : i32
      %ne3A_69 = arith.constant 0 : i32
      %ne3A_70 = arith.cmpi ne, %rem3A_68, %ne3A_69 : i32
      %lt3A_71 = arith.constant 0 : i32
      %lt3A_72 = arith.cmpi slt, %rem3A_68, %lt3A_71 : i32
      %lt3A_73 = arith.constant 0 : i32
      %lt3A_74 = arith.cmpi slt, %select_n3A_67, %lt3A_73 : i32
      %ne3A_75 = arith.xori %lt3A_72, %lt3A_74 : i1
      %and3A_76 = arith.andi %ne3A_75, %ne3A_70 : i1
      %add3A_77 = arith.addi %rem3A_68, %select_n3A_67 : i32
      %select_n3A_78 = arith.select %and3A_76, %add3A_77, %rem3A_68 : i32
      %eq3A_79 = arith.constant 1 : i32
      %eq3A_80 = arith.cmpi eq, %select_n3A_78, %eq3A_79 : i32
      %convert_element_type3A_81 = arith.extui %eq3A_80 : i1 to i32
      %cond3A_82 = arith.constant 0 : i32
      %cond3A_83 = arith.cmpi ne, %convert_element_type3A_81, %cond3A_82 : i32
      scf.if %cond3A_83 {
        %add3A_168 = arith.constant 3 : i32
        %add3A_169 = arith.addi %scan3A_47, %add3A_168 : i32
        %lt3A_170 = arith.constant 125 : i32
        %lt3A_171 = arith.cmpi slt, %add3A_169, %lt3A_170 : i32
        %convert_element_type3A_172 = arith.extui %lt3A_171 : i1 to i32
        %cond3A_173 = arith.constant 0 : i32
        %cond3A_174 = arith.cmpi ne, %convert_element_type3A_172, %cond3A_173 : i32
        scf.if %cond3A_174 {
          %add3A_187 = arith.constant 3 : i32
          %add3A_188 = arith.addi %scan3A_47, %add3A_187 : i32
          %ge3A = arith.constant 6 : i32
          %ge3A_189 = arith.cmpi sge, %add3A_188, %ge3A : i32
          %convert_element_type3A_190 = arith.extui %ge3A_189 : i1 to i32
          %cond3A_191 = arith.constant 0 : i32
          %cond3A_192 = arith.cmpi ne, %convert_element_type3A_190, %cond3A_191 : i32
          scf.if %cond3A_192 {
            %dma_wait3A_237 = arith.constant 0 : i32
            %dma_wait3A_238 = tpu.memref_slice %arg4[%mul3A_2, %dma_wait3A_237] : memref<800000x128xf32, #tpu.memory_space<hbm>> -> memref<200x64xf32, #tpu.memory_space<hbm>>
            %dma_wait3A_239 = arith.constant 0 : i32
            %dma_wait3A_240 = tpu.memref_slice %arg4[%mul3A_2, %dma_wait3A_239] : memref<800000x128xf32, #tpu.memory_space<hbm>> -> memref<200x64xf32, #tpu.memory_space<hbm>>
            tpu.wait_dma2 semaphore(%arg23 : memref<!tpu.dma_semaphore, #tpu.memory_space<semaphore_mem>>) src(%arg11 : memref<200x64xf32, #tpu.memory_space<vmem>>) dst(%dma_wait3A_240 : memref<200x64xf32, #tpu.memory_space<hbm>>)
          } else {
          }
          %add3A_193 = arith.constant 3 : i32
          %add3A_194 = arith.addi %scan3A_47, %add3A_193 : i32
          %jit3A_195 = arith.constant 5 : i32
          %eq3A_196 = arith.constant 0 : i32
          %eq3A_197 = arith.cmpi eq, %jit3A_195, %eq3A_196 : i32
          %jit3A_198 = arith.constant 1 : i32
          %select_n3A_199 = arith.select %eq3A_197, %jit3A_198, %jit3A_195 : i32
          %rem3A_200 = arith.remsi %add3A_194, %select_n3A_199 : i32
          %ne3A_201 = arith.constant 0 : i32
          %ne3A_202 = arith.cmpi ne, %rem3A_200, %ne3A_201 : i32
          %lt3A_203 = arith.constant 0 : i32
          %lt3A_204 = arith.cmpi slt, %rem3A_200, %lt3A_203 : i32
          %lt3A_205 = arith.constant 0 : i32
          %lt3A_206 = arith.cmpi slt, %select_n3A_199, %lt3A_205 : i32
          %ne3A_207 = arith.xori %lt3A_204, %lt3A_206 : i1
          %and3A_208 = arith.andi %ne3A_207, %ne3A_202 : i1
          %add3A_209 = arith.addi %rem3A_200, %select_n3A_199 : i32
          %select_n3A_210 = arith.select %and3A_208, %add3A_209, %rem3A_200 : i32
          %eq3A_211 = arith.constant 4 : i32
          %eq3A_212 = arith.cmpi eq, %select_n3A_210, %eq3A_211 : i32
          %convert_element_type3A_213 = arith.extui %eq3A_212 : i1 to i32
          %cond3A_214 = arith.constant 0 : i32
          %cond3A_215 = arith.cmpi ne, %convert_element_type3A_213, %cond3A_214 : i32
          scf.if %cond3A_215 {
            %mul3A_237 = arith.constant 200 : i32
            %mul3A_238 = arith.muli %add3A_194, %mul3A_237 : i32
            %dma_start3A_239 = tpu.memref_slice %arg5[%mul3A_238] : memref<25000xi32, #tpu.memory_space<vmem>> -> memref<200xi32, #tpu.memory_space<vmem>>
            %dma_start3A_240 = arith.constant 0 : i32
            %dma_start3A_241 = arith.constant 0 : i32
            %dma_start3A_242 = tpu.memref_slice %arg3[%dma_start3A_240, %dma_start3A_241] : memref<1000x64xf32, #tpu.memory_space<hbm>> -> memref<1000x64xf32, #tpu.memory_space<hbm>>
            tpu.enqueue_indirect_dma source(%dma_start3A_242 : memref<1000x64xf32, #tpu.memory_space<hbm>>) target(%arg11 : memref<200x64xf32, #tpu.memory_space<vmem>>) offsets(%dma_start3A_239 : memref<200xi32, #tpu.memory_space<vmem>>) semaphore(%arg17 : memref<!tpu.dma_semaphore, #tpu.memory_space<semaphore_mem>>)
          } else {
          }
          %jit3A_216 = arith.constant 5 : i32
          %eq3A_217 = arith.constant 0 : i32
          %eq3A_218 = arith.cmpi eq, %jit3A_216, %eq3A_217 : i32
          %jit3A_219 = arith.constant 1 : i32
          %select_n3A_220 = arith.select %eq3A_218, %jit3A_219, %jit3A_216 : i32
          %rem3A_221 = arith.remsi %add3A_194, %select_n3A_220 : i32
          %ne3A_222 = arith.constant 0 : i32
          %ne3A_223 = arith.cmpi ne, %rem3A_221, %ne3A_222 : i32
          %lt3A_224 = arith.constant 0 : i32
          %lt3A_225 = arith.cmpi slt, %rem3A_221, %lt3A_224 : i32
          %lt3A_226 = arith.constant 0 : i32
          %lt3A_227 = arith.cmpi slt, %select_n3A_220, %lt3A_226 : i32
          %ne3A_228 = arith.xori %lt3A_225, %lt3A_227 : i1
          %and3A_229 = arith.andi %ne3A_228, %ne3A_223 : i1
          %add3A_230 = arith.addi %rem3A_221, %select_n3A_220 : i32
          %select_n3A_231 = arith.select %and3A_229, %add3A_230, %rem3A_221 : i32
          %ne3A_232 = arith.constant 4 : i32
          %ne3A_233 = arith.cmpi ne, %select_n3A_231, %ne3A_232 : i32
          %convert_element_type3A_234 = arith.extui %ne3A_233 : i1 to i32
          %cond3A_235 = arith.constant 0 : i32
          %cond3A_236 = arith.cmpi ne, %convert_element_type3A_234, %cond3A_235 : i32
          scf.if %cond3A_236 {
            %mul3A_237 = arith.constant 200 : i32
            %mul3A_238 = arith.muli %add3A_194, %mul3A_237 : i32
            %dma_start3A_239 = tpu.memref_slice %arg5[%mul3A_238] : memref<25000xi32, #tpu.memory_space<vmem>> -> memref<200xi32, #tpu.memory_space<vmem>>
            %dma_start3A_240 = arith.constant 0 : i32
            %dma_start3A_241 = arith.constant 0 : i32
            %dma_start3A_242 = tpu.memref_slice %arg6[%dma_start3A_240, %dma_start3A_241] : memref<1000x64xf32, #tpu.memory_space<vmem_shared>> -> memref<1000x64xf32, #tpu.memory_space<vmem_shared>>
            tpu.enqueue_indirect_dma source(%dma_start3A_242 : memref<1000x64xf32, #tpu.memory_space<vmem_shared>>) target(%arg11 : memref<200x64xf32, #tpu.memory_space<vmem>>) offsets(%dma_start3A_239 : memref<200xi32, #tpu.memory_space<vmem>>) semaphore(%arg17 : memref<!tpu.dma_semaphore, #tpu.memory_space<semaphore_mem>>)
          } else {
          }
        } else {
        }
        %dma_wait3A_175 = arith.constant 0 : i32
        %dma_wait3A_176 = tpu.memref_slice %arg5[%dma_wait3A_175] : memref<25000xi32, #tpu.memory_space<vmem>> -> memref<200xi32, #tpu.memory_space<vmem>>
        %dma_wait3A_177 = arith.constant 0 : i32
        %dma_wait3A_178 = arith.constant 0 : i32
        %dma_wait3A_179 = tpu.memref_slice %arg6[%dma_wait3A_177, %dma_wait3A_178] : memref<1000x64xf32, #tpu.memory_space<vmem_shared>> -> memref<1000x64xf32, #tpu.memory_space<vmem_shared>>
        tpu.wait_indirect_dma semaphore(%arg14 : memref<!tpu.dma_semaphore, #tpu.memory_space<semaphore_mem>>) src(%dma_wait3A_179 : memref<1000x64xf32, #tpu.memory_space<vmem_shared>>) dst(%arg8 : memref<200x64xf32, #tpu.memory_space<vmem>>)
        %mul3A_180 = arith.constant 200 : i32
        %mul3A_181 = arith.muli %scan3A_47, %mul3A_180 : i32
        %add3A_182 = arith.addi %mul3A_2, %mul3A_181 : i32
        %dma_start3A_183 = arith.constant 0 : i32
        %dma_start3A_184 = tpu.memref_slice %arg4[%add3A_182, %dma_start3A_183] : memref<800000x128xf32, #tpu.memory_space<hbm>> -> memref<200x64xf32, #tpu.memory_space<hbm>>
        %dma_start3A_185 = arith.constant 0 : i32
        %dma_start3A_186 = tpu.memref_slice %arg4[%add3A_182, %dma_start3A_185] : memref<800000x128xf32, #tpu.memory_space<hbm>> -> memref<200x64xf32, #tpu.memory_space<hbm>>
        tpu.enqueue_dma source(%arg8 : memref<200x64xf32, #tpu.memory_space<vmem>>) target(%dma_start3A_186 : memref<200x64xf32, #tpu.memory_space<hbm>>) target_semaphore(%arg20 : memref<!tpu.dma_semaphore, #tpu.memory_space<semaphore_mem>>)
      } else {
      }
      %jit3A_84 = arith.constant 6 : i32
      %eq3A_85 = arith.constant 0 : i32
      %eq3A_86 = arith.cmpi eq, %jit3A_84, %eq3A_85 : i32
      %jit3A_87 = arith.constant 1 : i32
      %select_n3A_88 = arith.select %eq3A_86, %jit3A_87, %jit3A_84 : i32
      %rem3A_89 = arith.remsi %scan3A_47, %select_n3A_88 : i32
      %ne3A_90 = arith.constant 0 : i32
      %ne3A_91 = arith.cmpi ne, %rem3A_89, %ne3A_90 : i32
      %lt3A_92 = arith.constant 0 : i32
      %lt3A_93 = arith.cmpi slt, %rem3A_89, %lt3A_92 : i32
      %lt3A_94 = arith.constant 0 : i32
      %lt3A_95 = arith.cmpi slt, %select_n3A_88, %lt3A_94 : i32
      %ne3A_96 = arith.xori %lt3A_93, %lt3A_95 : i1
      %and3A_97 = arith.andi %ne3A_96, %ne3A_91 : i1
      %add3A_98 = arith.addi %rem3A_89, %select_n3A_88 : i32
      %select_n3A_99 = arith.select %and3A_97, %add3A_98, %rem3A_89 : i32
      %eq3A_100 = arith.constant 2 : i32
      %eq3A_101 = arith.cmpi eq, %select_n3A_99, %eq3A_100 : i32
      %convert_element_type3A_102 = arith.extui %eq3A_101 : i1 to i32
      %cond3A_103 = arith.constant 0 : i32
      %cond3A_104 = arith.cmpi ne, %convert_element_type3A_102, %cond3A_103 : i32
      scf.if %cond3A_104 {
        %add3A_168 = arith.constant 3 : i32
        %add3A_169 = arith.addi %scan3A_47, %add3A_168 : i32
        %lt3A_170 = arith.constant 125 : i32
        %lt3A_171 = arith.cmpi slt, %add3A_169, %lt3A_170 : i32
        %convert_element_type3A_172 = arith.extui %lt3A_171 : i1 to i32
        %cond3A_173 = arith.constant 0 : i32
        %cond3A_174 = arith.cmpi ne, %convert_element_type3A_172, %cond3A_173 : i32
        scf.if %cond3A_174 {
          %add3A_187 = arith.constant 3 : i32
          %add3A_188 = arith.addi %scan3A_47, %add3A_187 : i32
          %ge3A = arith.constant 6 : i32
          %ge3A_189 = arith.cmpi sge, %add3A_188, %ge3A : i32
          %convert_element_type3A_190 = arith.extui %ge3A_189 : i1 to i32
          %cond3A_191 = arith.constant 0 : i32
          %cond3A_192 = arith.cmpi ne, %convert_element_type3A_190, %cond3A_191 : i32
          scf.if %cond3A_192 {
            %dma_wait3A_237 = arith.constant 0 : i32
            %dma_wait3A_238 = tpu.memref_slice %arg4[%mul3A_2, %dma_wait3A_237] : memref<800000x128xf32, #tpu.memory_space<hbm>> -> memref<200x64xf32, #tpu.memory_space<hbm>>
            %dma_wait3A_239 = arith.constant 0 : i32
            %dma_wait3A_240 = tpu.memref_slice %arg4[%mul3A_2, %dma_wait3A_239] : memref<800000x128xf32, #tpu.memory_space<hbm>> -> memref<200x64xf32, #tpu.memory_space<hbm>>
            tpu.wait_dma2 semaphore(%arg24 : memref<!tpu.dma_semaphore, #tpu.memory_space<semaphore_mem>>) src(%arg12 : memref<200x64xf32, #tpu.memory_space<vmem>>) dst(%dma_wait3A_240 : memref<200x64xf32, #tpu.memory_space<hbm>>)
          } else {
          }
          %add3A_193 = arith.constant 3 : i32
          %add3A_194 = arith.addi %scan3A_47, %add3A_193 : i32
          %jit3A_195 = arith.constant 5 : i32
          %eq3A_196 = arith.constant 0 : i32
          %eq3A_197 = arith.cmpi eq, %jit3A_195, %eq3A_196 : i32
          %jit3A_198 = arith.constant 1 : i32
          %select_n3A_199 = arith.select %eq3A_197, %jit3A_198, %jit3A_195 : i32
          %rem3A_200 = arith.remsi %add3A_194, %select_n3A_199 : i32
          %ne3A_201 = arith.constant 0 : i32
          %ne3A_202 = arith.cmpi ne, %rem3A_200, %ne3A_201 : i32
          %lt3A_203 = arith.constant 0 : i32
          %lt3A_204 = arith.cmpi slt, %rem3A_200, %lt3A_203 : i32
          %lt3A_205 = arith.constant 0 : i32
          %lt3A_206 = arith.cmpi slt, %select_n3A_199, %lt3A_205 : i32
          %ne3A_207 = arith.xori %lt3A_204, %lt3A_206 : i1
          %and3A_208 = arith.andi %ne3A_207, %ne3A_202 : i1
          %add3A_209 = arith.addi %rem3A_200, %select_n3A_199 : i32
          %select_n3A_210 = arith.select %and3A_208, %add3A_209, %rem3A_200 : i32
          %eq3A_211 = arith.constant 4 : i32
          %eq3A_212 = arith.cmpi eq, %select_n3A_210, %eq3A_211 : i32
          %convert_element_type3A_213 = arith.extui %eq3A_212 : i1 to i32
          %cond3A_214 = arith.constant 0 : i32
          %cond3A_215 = arith.cmpi ne, %convert_element_type3A_213, %cond3A_214 : i32
          scf.if %cond3A_215 {
            %mul3A_237 = arith.constant 200 : i32
            %mul3A_238 = arith.muli %add3A_194, %mul3A_237 : i32
            %dma_start3A_239 = tpu.memref_slice %arg5[%mul3A_238] : memref<25000xi32, #tpu.memory_space<vmem>> -> memref<200xi32, #tpu.memory_space<vmem>>
            %dma_start3A_240 = arith.constant 0 : i32
            %dma_start3A_241 = arith.constant 0 : i32
            %dma_start3A_242 = tpu.memref_slice %arg3[%dma_start3A_240, %dma_start3A_241] : memref<1000x64xf32, #tpu.memory_space<hbm>> -> memref<1000x64xf32, #tpu.memory_space<hbm>>
            tpu.enqueue_indirect_dma source(%dma_start3A_242 : memref<1000x64xf32, #tpu.memory_space<hbm>>) target(%arg12 : memref<200x64xf32, #tpu.memory_space<vmem>>) offsets(%dma_start3A_239 : memref<200xi32, #tpu.memory_space<vmem>>) semaphore(%arg18 : memref<!tpu.dma_semaphore, #tpu.memory_space<semaphore_mem>>)
          } else {
          }
          %jit3A_216 = arith.constant 5 : i32
          %eq3A_217 = arith.constant 0 : i32
          %eq3A_218 = arith.cmpi eq, %jit3A_216, %eq3A_217 : i32
          %jit3A_219 = arith.constant 1 : i32
          %select_n3A_220 = arith.select %eq3A_218, %jit3A_219, %jit3A_216 : i32
          %rem3A_221 = arith.remsi %add3A_194, %select_n3A_220 : i32
          %ne3A_222 = arith.constant 0 : i32
          %ne3A_223 = arith.cmpi ne, %rem3A_221, %ne3A_222 : i32
          %lt3A_224 = arith.constant 0 : i32
          %lt3A_225 = arith.cmpi slt, %rem3A_221, %lt3A_224 : i32
          %lt3A_226 = arith.constant 0 : i32
          %lt3A_227 = arith.cmpi slt, %select_n3A_220, %lt3A_226 : i32
          %ne3A_228 = arith.xori %lt3A_225, %lt3A_227 : i1
          %and3A_229 = arith.andi %ne3A_228, %ne3A_223 : i1
          %add3A_230 = arith.addi %rem3A_221, %select_n3A_220 : i32
          %select_n3A_231 = arith.select %and3A_229, %add3A_230, %rem3A_221 : i32
          %ne3A_232 = arith.constant 4 : i32
          %ne3A_233 = arith.cmpi ne, %select_n3A_231, %ne3A_232 : i32
          %convert_element_type3A_234 = arith.extui %ne3A_233 : i1 to i32
          %cond3A_235 = arith.constant 0 : i32
          %cond3A_236 = arith.cmpi ne, %convert_element_type3A_234, %cond3A_235 : i32
          scf.if %cond3A_236 {
            %mul3A_237 = arith.constant 200 : i32
            %mul3A_238 = arith.muli %add3A_194, %mul3A_237 : i32
            %dma_start3A_239 = tpu.memref_slice %arg5[%mul3A_238] : memref<25000xi32, #tpu.memory_space<vmem>> -> memref<200xi32, #tpu.memory_space<vmem>>
            %dma_start3A_240 = arith.constant 0 : i32
            %dma_start3A_241 = arith.constant 0 : i32
            %dma_start3A_242 = tpu.memref_slice %arg6[%dma_start3A_240, %dma_start3A_241] : memref<1000x64xf32, #tpu.memory_space<vmem_shared>> -> memref<1000x64xf32, #tpu.memory_space<vmem_shared>>
            tpu.enqueue_indirect_dma source(%dma_start3A_242 : memref<1000x64xf32, #tpu.memory_space<vmem_shared>>) target(%arg12 : memref<200x64xf32, #tpu.memory_space<vmem>>) offsets(%dma_start3A_239 : memref<200xi32, #tpu.memory_space<vmem>>) semaphore(%arg18 : memref<!tpu.dma_semaphore, #tpu.memory_space<semaphore_mem>>)
          } else {
          }
        } else {
        }
        %dma_wait3A_175 = arith.constant 0 : i32
        %dma_wait3A_176 = tpu.memref_slice %arg5[%dma_wait3A_175] : memref<25000xi32, #tpu.memory_space<vmem>> -> memref<200xi32, #tpu.memory_space<vmem>>
        %dma_wait3A_177 = arith.constant 0 : i32
        %dma_wait3A_178 = arith.constant 0 : i32
        %dma_wait3A_179 = tpu.memref_slice %arg6[%dma_wait3A_177, %dma_wait3A_178] : memref<1000x64xf32, #tpu.memory_space<vmem_shared>> -> memref<1000x64xf32, #tpu.memory_space<vmem_shared>>
        tpu.wait_indirect_dma semaphore(%arg15 : memref<!tpu.dma_semaphore, #tpu.memory_space<semaphore_mem>>) src(%dma_wait3A_179 : memref<1000x64xf32, #tpu.memory_space<vmem_shared>>) dst(%arg9 : memref<200x64xf32, #tpu.memory_space<vmem>>)
        %mul3A_180 = arith.constant 200 : i32
        %mul3A_181 = arith.muli %scan3A_47, %mul3A_180 : i32
        %add3A_182 = arith.addi %mul3A_2, %mul3A_181 : i32
        %dma_start3A_183 = arith.constant 0 : i32
        %dma_start3A_184 = tpu.memref_slice %arg4[%add3A_182, %dma_start3A_183] : memref<800000x128xf32, #tpu.memory_space<hbm>> -> memref<200x64xf32, #tpu.memory_space<hbm>>
        %dma_start3A_185 = arith.constant 0 : i32
        %dma_start3A_186 = tpu.memref_slice %arg4[%add3A_182, %dma_start3A_185] : memref<800000x128xf32, #tpu.memory_space<hbm>> -> memref<200x64xf32, #tpu.memory_space<hbm>>
        tpu.enqueue_dma source(%arg9 : memref<200x64xf32, #tpu.memory_space<vmem>>) target(%dma_start3A_186 : memref<200x64xf32, #tpu.memory_space<hbm>>) target_semaphore(%arg21 : memref<!tpu.dma_semaphore, #tpu.memory_space<semaphore_mem>>)
      } else {
      }
      %jit3A_105 = arith.constant 6 : i32
      %eq3A_106 = arith.constant 0 : i32
      %eq3A_107 = arith.cmpi eq, %jit3A_105, %eq3A_106 : i32
      %jit3A_108 = arith.constant 1 : i32
      %select_n3A_109 = arith.select %eq3A_107, %jit3A_108, %jit3A_105 : i32
      %rem3A_110 = arith.remsi %scan3A_47, %select_n3A_109 : i32
      %ne3A_111 = arith.constant 0 : i32
      %ne3A_112 = arith.cmpi ne, %rem3A_110, %ne3A_111 : i32
      %lt3A_113 = arith.constant 0 : i32
      %lt3A_114 = arith.cmpi slt, %rem3A_110, %lt3A_113 : i32
      %lt3A_115 = arith.constant 0 : i32
      %lt3A_116 = arith.cmpi slt, %select_n3A_109, %lt3A_115 : i32
      %ne3A_117 = arith.xori %lt3A_114, %lt3A_116 : i1
      %and3A_118 = arith.andi %ne3A_117, %ne3A_112 : i1
      %add3A_119 = arith.addi %rem3A_110, %select_n3A_109 : i32
      %select_n3A_120 = arith.select %and3A_118, %add3A_119, %rem3A_110 : i32
      %eq3A_121 = arith.constant 3 : i32
      %eq3A_122 = arith.cmpi eq, %select_n3A_120, %eq3A_121 : i32
      %convert_element_type3A_123 = arith.extui %eq3A_122 : i1 to i32
      %cond3A_124 = arith.constant 0 : i32
      %cond3A_125 = arith.cmpi ne, %convert_element_type3A_123, %cond3A_124 : i32
      scf.if %cond3A_125 {
        %add3A_168 = arith.constant 3 : i32
        %add3A_169 = arith.addi %scan3A_47, %add3A_168 : i32
        %lt3A_170 = arith.constant 125 : i32
        %lt3A_171 = arith.cmpi slt, %add3A_169, %lt3A_170 : i32
        %convert_element_type3A_172 = arith.extui %lt3A_171 : i1 to i32
        %cond3A_173 = arith.constant 0 : i32
        %cond3A_174 = arith.cmpi ne, %convert_element_type3A_172, %cond3A_173 : i32
        scf.if %cond3A_174 {
          %add3A_187 = arith.constant 3 : i32
          %add3A_188 = arith.addi %scan3A_47, %add3A_187 : i32
          %ge3A = arith.constant 6 : i32
          %ge3A_189 = arith.cmpi sge, %add3A_188, %ge3A : i32
          %convert_element_type3A_190 = arith.extui %ge3A_189 : i1 to i32
          %cond3A_191 = arith.constant 0 : i32
          %cond3A_192 = arith.cmpi ne, %convert_element_type3A_190, %cond3A_191 : i32
          scf.if %cond3A_192 {
            %dma_wait3A_237 = arith.constant 0 : i32
            %dma_wait3A_238 = tpu.memref_slice %arg4[%mul3A_2, %dma_wait3A_237] : memref<800000x128xf32, #tpu.memory_space<hbm>> -> memref<200x64xf32, #tpu.memory_space<hbm>>
            %dma_wait3A_239 = arith.constant 0 : i32
            %dma_wait3A_240 = tpu.memref_slice %arg4[%mul3A_2, %dma_wait3A_239] : memref<800000x128xf32, #tpu.memory_space<hbm>> -> memref<200x64xf32, #tpu.memory_space<hbm>>
            tpu.wait_dma2 semaphore(%arg19 : memref<!tpu.dma_semaphore, #tpu.memory_space<semaphore_mem>>) src(%arg7 : memref<200x64xf32, #tpu.memory_space<vmem>>) dst(%dma_wait3A_240 : memref<200x64xf32, #tpu.memory_space<hbm>>)
          } else {
          }
          %add3A_193 = arith.constant 3 : i32
          %add3A_194 = arith.addi %scan3A_47, %add3A_193 : i32
          %jit3A_195 = arith.constant 5 : i32
          %eq3A_196 = arith.constant 0 : i32
          %eq3A_197 = arith.cmpi eq, %jit3A_195, %eq3A_196 : i32
          %jit3A_198 = arith.constant 1 : i32
          %select_n3A_199 = arith.select %eq3A_197, %jit3A_198, %jit3A_195 : i32
          %rem3A_200 = arith.remsi %add3A_194, %select_n3A_199 : i32
          %ne3A_201 = arith.constant 0 : i32
          %ne3A_202 = arith.cmpi ne, %rem3A_200, %ne3A_201 : i32
          %lt3A_203 = arith.constant 0 : i32
          %lt3A_204 = arith.cmpi slt, %rem3A_200, %lt3A_203 : i32
          %lt3A_205 = arith.constant 0 : i32
          %lt3A_206 = arith.cmpi slt, %select_n3A_199, %lt3A_205 : i32
          %ne3A_207 = arith.xori %lt3A_204, %lt3A_206 : i1
          %and3A_208 = arith.andi %ne3A_207, %ne3A_202 : i1
          %add3A_209 = arith.addi %rem3A_200, %select_n3A_199 : i32
          %select_n3A_210 = arith.select %and3A_208, %add3A_209, %rem3A_200 : i32
          %eq3A_211 = arith.constant 4 : i32
          %eq3A_212 = arith.cmpi eq, %select_n3A_210, %eq3A_211 : i32
          %convert_element_type3A_213 = arith.extui %eq3A_212 : i1 to i32
          %cond3A_214 = arith.constant 0 : i32
          %cond3A_215 = arith.cmpi ne, %convert_element_type3A_213, %cond3A_214 : i32
          scf.if %cond3A_215 {
            %mul3A_237 = arith.constant 200 : i32
            %mul3A_238 = arith.muli %add3A_194, %mul3A_237 : i32
            %dma_start3A_239 = tpu.memref_slice %arg5[%mul3A_238] : memref<25000xi32, #tpu.memory_space<vmem>> -> memref<200xi32, #tpu.memory_space<vmem>>
            %dma_start3A_240 = arith.constant 0 : i32
            %dma_start3A_241 = arith.constant 0 : i32
            %dma_start3A_242 = tpu.memref_slice %arg3[%dma_start3A_240, %dma_start3A_241] : memref<1000x64xf32, #tpu.memory_space<hbm>> -> memref<1000x64xf32, #tpu.memory_space<hbm>>
            tpu.enqueue_indirect_dma source(%dma_start3A_242 : memref<1000x64xf32, #tpu.memory_space<hbm>>) target(%arg7 : memref<200x64xf32, #tpu.memory_space<vmem>>) offsets(%dma_start3A_239 : memref<200xi32, #tpu.memory_space<vmem>>) semaphore(%arg13 : memref<!tpu.dma_semaphore, #tpu.memory_space<semaphore_mem>>)
          } else {
          }
          %jit3A_216 = arith.constant 5 : i32
          %eq3A_217 = arith.constant 0 : i32
          %eq3A_218 = arith.cmpi eq, %jit3A_216, %eq3A_217 : i32
          %jit3A_219 = arith.constant 1 : i32
          %select_n3A_220 = arith.select %eq3A_218, %jit3A_219, %jit3A_216 : i32
          %rem3A_221 = arith.remsi %add3A_194, %select_n3A_220 : i32
          %ne3A_222 = arith.constant 0 : i32
          %ne3A_223 = arith.cmpi ne, %rem3A_221, %ne3A_222 : i32
          %lt3A_224 = arith.constant 0 : i32
          %lt3A_225 = arith.cmpi slt, %rem3A_221, %lt3A_224 : i32
          %lt3A_226 = arith.constant 0 : i32
          %lt3A_227 = arith.cmpi slt, %select_n3A_220, %lt3A_226 : i32
          %ne3A_228 = arith.xori %lt3A_225, %lt3A_227 : i1
          %and3A_229 = arith.andi %ne3A_228, %ne3A_223 : i1
          %add3A_230 = arith.addi %rem3A_221, %select_n3A_220 : i32
          %select_n3A_231 = arith.select %and3A_229, %add3A_230, %rem3A_221 : i32
          %ne3A_232 = arith.constant 4 : i32
          %ne3A_233 = arith.cmpi ne, %select_n3A_231, %ne3A_232 : i32
          %convert_element_type3A_234 = arith.extui %ne3A_233 : i1 to i32
          %cond3A_235 = arith.constant 0 : i32
          %cond3A_236 = arith.cmpi ne, %convert_element_type3A_234, %cond3A_235 : i32
          scf.if %cond3A_236 {
            %mul3A_237 = arith.constant 200 : i32
            %mul3A_238 = arith.muli %add3A_194, %mul3A_237 : i32
            %dma_start3A_239 = tpu.memref_slice %arg5[%mul3A_238] : memref<25000xi32, #tpu.memory_space<vmem>> -> memref<200xi32, #tpu.memory_space<vmem>>
            %dma_start3A_240 = arith.constant 0 : i32
            %dma_start3A_241 = arith.constant 0 : i32
            %dma_start3A_242 = tpu.memref_slice %arg6[%dma_start3A_240, %dma_start3A_241] : memref<1000x64xf32, #tpu.memory_space<vmem_shared>> -> memref<1000x64xf32, #tpu.memory_space<vmem_shared>>
            tpu.enqueue_indirect_dma source(%dma_start3A_242 : memref<1000x64xf32, #tpu.memory_space<vmem_shared>>) target(%arg7 : memref<200x64xf32, #tpu.memory_space<vmem>>) offsets(%dma_start3A_239 : memref<200xi32, #tpu.memory_space<vmem>>) semaphore(%arg13 : memref<!tpu.dma_semaphore, #tpu.memory_space<semaphore_mem>>)
          } else {
          }
        } else {
        }
        %dma_wait3A_175 = arith.constant 0 : i32
        %dma_wait3A_176 = tpu.memref_slice %arg5[%dma_wait3A_175] : memref<25000xi32, #tpu.memory_space<vmem>> -> memref<200xi32, #tpu.memory_space<vmem>>
        %dma_wait3A_177 = arith.constant 0 : i32
        %dma_wait3A_178 = arith.constant 0 : i32
        %dma_wait3A_179 = tpu.memref_slice %arg6[%dma_wait3A_177, %dma_wait3A_178] : memref<1000x64xf32, #tpu.memory_space<vmem_shared>> -> memref<1000x64xf32, #tpu.memory_space<vmem_shared>>
        tpu.wait_indirect_dma semaphore(%arg16 : memref<!tpu.dma_semaphore, #tpu.memory_space<semaphore_mem>>) src(%dma_wait3A_179 : memref<1000x64xf32, #tpu.memory_space<vmem_shared>>) dst(%arg10 : memref<200x64xf32, #tpu.memory_space<vmem>>)
        %mul3A_180 = arith.constant 200 : i32
        %mul3A_181 = arith.muli %scan3A_47, %mul3A_180 : i32
        %add3A_182 = arith.addi %mul3A_2, %mul3A_181 : i32
        %dma_start3A_183 = arith.constant 0 : i32
        %dma_start3A_184 = tpu.memref_slice %arg4[%add3A_182, %dma_start3A_183] : memref<800000x128xf32, #tpu.memory_space<hbm>> -> memref<200x64xf32, #tpu.memory_space<hbm>>
        %dma_start3A_185 = arith.constant 0 : i32
        %dma_start3A_186 = tpu.memref_slice %arg4[%add3A_182, %dma_start3A_185] : memref<800000x128xf32, #tpu.memory_space<hbm>> -> memref<200x64xf32, #tpu.memory_space<hbm>>
        tpu.enqueue_dma source(%arg10 : memref<200x64xf32, #tpu.memory_space<vmem>>) target(%dma_start3A_186 : memref<200x64xf32, #tpu.memory_space<hbm>>) target_semaphore(%arg22 : memref<!tpu.dma_semaphore, #tpu.memory_space<semaphore_mem>>)
      } else {
      }
      %jit3A_126 = arith.constant 6 : i32
      %eq3A_127 = arith.constant 0 : i32
      %eq3A_128 = arith.cmpi eq, %jit3A_126, %eq3A_127 : i32
      %jit3A_129 = arith.constant 1 : i32
      %select_n3A_130 = arith.select %eq3A_128, %jit3A_129, %jit3A_126 : i32
      %rem3A_131 = arith.remsi %scan3A_47, %select_n3A_130 : i32
      %ne3A_132 = arith.constant 0 : i32
      %ne3A_133 = arith.cmpi ne, %rem3A_131, %ne3A_132 : i32
      %lt3A_134 = arith.constant 0 : i32
      %lt3A_135 = arith.cmpi slt, %rem3A_131, %lt3A_134 : i32
      %lt3A_136 = arith.constant 0 : i32
      %lt3A_137 = arith.cmpi slt, %select_n3A_130, %lt3A_136 : i32
      %ne3A_138 = arith.xori %lt3A_135, %lt3A_137 : i1
      %and3A_139 = arith.andi %ne3A_138, %ne3A_133 : i1
      %add3A_140 = arith.addi %rem3A_131, %select_n3A_130 : i32
      %select_n3A_141 = arith.select %and3A_139, %add3A_140, %rem3A_131 : i32
      %eq3A_142 = arith.constant 4 : i32
      %eq3A_143 = arith.cmpi eq, %select_n3A_141, %eq3A_142 : i32
      %convert_element_type3A_144 = arith.extui %eq3A_143 : i1 to i32
      %cond3A_145 = arith.constant 0 : i32
      %cond3A_146 = arith.cmpi ne, %convert_element_type3A_144, %cond3A_145 : i32
      scf.if %cond3A_146 {
        %add3A_168 = arith.constant 3 : i32
        %add3A_169 = arith.addi %scan3A_47, %add3A_168 : i32
        %lt3A_170 = arith.constant 125 : i32
        %lt3A_171 = arith.cmpi slt, %add3A_169, %lt3A_170 : i32
        %convert_element_type3A_172 = arith.extui %lt3A_171 : i1 to i32
        %cond3A_173 = arith.constant 0 : i32
        %cond3A_174 = arith.cmpi ne, %convert_element_type3A_172, %cond3A_173 : i32
        scf.if %cond3A_174 {
          %add3A_187 = arith.constant 3 : i32
          %add3A_188 = arith.addi %scan3A_47, %add3A_187 : i32
          %ge3A = arith.constant 6 : i32
          %ge3A_189 = arith.cmpi sge, %add3A_188, %ge3A : i32
          %convert_element_type3A_190 = arith.extui %ge3A_189 : i1 to i32
          %cond3A_191 = arith.constant 0 : i32
          %cond3A_192 = arith.cmpi ne, %convert_element_type3A_190, %cond3A_191 : i32
          scf.if %cond3A_192 {
            %dma_wait3A_237 = arith.constant 0 : i32
            %dma_wait3A_238 = tpu.memref_slice %arg4[%mul3A_2, %dma_wait3A_237] : memref<800000x128xf32, #tpu.memory_space<hbm>> -> memref<200x64xf32, #tpu.memory_space<hbm>>
            %dma_wait3A_239 = arith.constant 0 : i32
            %dma_wait3A_240 = tpu.memref_slice %arg4[%mul3A_2, %dma_wait3A_239] : memref<800000x128xf32, #tpu.memory_space<hbm>> -> memref<200x64xf32, #tpu.memory_space<hbm>>
            tpu.wait_dma2 semaphore(%arg20 : memref<!tpu.dma_semaphore, #tpu.memory_space<semaphore_mem>>) src(%arg8 : memref<200x64xf32, #tpu.memory_space<vmem>>) dst(%dma_wait3A_240 : memref<200x64xf32, #tpu.memory_space<hbm>>)
          } else {
          }
          %add3A_193 = arith.constant 3 : i32
          %add3A_194 = arith.addi %scan3A_47, %add3A_193 : i32
          %jit3A_195 = arith.constant 5 : i32
          %eq3A_196 = arith.constant 0 : i32
          %eq3A_197 = arith.cmpi eq, %jit3A_195, %eq3A_196 : i32
          %jit3A_198 = arith.constant 1 : i32
          %select_n3A_199 = arith.select %eq3A_197, %jit3A_198, %jit3A_195 : i32
          %rem3A_200 = arith.remsi %add3A_194, %select_n3A_199 : i32
          %ne3A_201 = arith.constant 0 : i32
          %ne3A_202 = arith.cmpi ne, %rem3A_200, %ne3A_201 : i32
          %lt3A_203 = arith.constant 0 : i32
          %lt3A_204 = arith.cmpi slt, %rem3A_200, %lt3A_203 : i32
          %lt3A_205 = arith.constant 0 : i32
          %lt3A_206 = arith.cmpi slt, %select_n3A_199, %lt3A_205 : i32
          %ne3A_207 = arith.xori %lt3A_204, %lt3A_206 : i1
          %and3A_208 = arith.andi %ne3A_207, %ne3A_202 : i1
          %add3A_209 = arith.addi %rem3A_200, %select_n3A_199 : i32
          %select_n3A_210 = arith.select %and3A_208, %add3A_209, %rem3A_200 : i32
          %eq3A_211 = arith.constant 4 : i32
          %eq3A_212 = arith.cmpi eq, %select_n3A_210, %eq3A_211 : i32
          %convert_element_type3A_213 = arith.extui %eq3A_212 : i1 to i32
          %cond3A_214 = arith.constant 0 : i32
          %cond3A_215 = arith.cmpi ne, %convert_element_type3A_213, %cond3A_214 : i32
          scf.if %cond3A_215 {
            %mul3A_237 = arith.constant 200 : i32
            %mul3A_238 = arith.muli %add3A_194, %mul3A_237 : i32
            %dma_start3A_239 = tpu.memref_slice %arg5[%mul3A_238] : memref<25000xi32, #tpu.memory_space<vmem>> -> memref<200xi32, #tpu.memory_space<vmem>>
            %dma_start3A_240 = arith.constant 0 : i32
            %dma_start3A_241 = arith.constant 0 : i32
            %dma_start3A_242 = tpu.memref_slice %arg3[%dma_start3A_240, %dma_start3A_241] : memref<1000x64xf32, #tpu.memory_space<hbm>> -> memref<1000x64xf32, #tpu.memory_space<hbm>>
            tpu.enqueue_indirect_dma source(%dma_start3A_242 : memref<1000x64xf32, #tpu.memory_space<hbm>>) target(%arg8 : memref<200x64xf32, #tpu.memory_space<vmem>>) offsets(%dma_start3A_239 : memref<200xi32, #tpu.memory_space<vmem>>) semaphore(%arg14 : memref<!tpu.dma_semaphore, #tpu.memory_space<semaphore_mem>>)
          } else {
          }
          %jit3A_216 = arith.constant 5 : i32
          %eq3A_217 = arith.constant 0 : i32
          %eq3A_218 = arith.cmpi eq, %jit3A_216, %eq3A_217 : i32
          %jit3A_219 = arith.constant 1 : i32
          %select_n3A_220 = arith.select %eq3A_218, %jit3A_219, %jit3A_216 : i32
          %rem3A_221 = arith.remsi %add3A_194, %select_n3A_220 : i32
          %ne3A_222 = arith.constant 0 : i32
          %ne3A_223 = arith.cmpi ne, %rem3A_221, %ne3A_222 : i32
          %lt3A_224 = arith.constant 0 : i32
          %lt3A_225 = arith.cmpi slt, %rem3A_221, %lt3A_224 : i32
          %lt3A_226 = arith.constant 0 : i32
          %lt3A_227 = arith.cmpi slt, %select_n3A_220, %lt3A_226 : i32
          %ne3A_228 = arith.xori %lt3A_225, %lt3A_227 : i1
          %and3A_229 = arith.andi %ne3A_228, %ne3A_223 : i1
          %add3A_230 = arith.addi %rem3A_221, %select_n3A_220 : i32
          %select_n3A_231 = arith.select %and3A_229, %add3A_230, %rem3A_221 : i32
          %ne3A_232 = arith.constant 4 : i32
          %ne3A_233 = arith.cmpi ne, %select_n3A_231, %ne3A_232 : i32
          %convert_element_type3A_234 = arith.extui %ne3A_233 : i1 to i32
          %cond3A_235 = arith.constant 0 : i32
          %cond3A_236 = arith.cmpi ne, %convert_element_type3A_234, %cond3A_235 : i32
          scf.if %cond3A_236 {
            %mul3A_237 = arith.constant 200 : i32
            %mul3A_238 = arith.muli %add3A_194, %mul3A_237 : i32
            %dma_start3A_239 = tpu.memref_slice %arg5[%mul3A_238] : memref<25000xi32, #tpu.memory_space<vmem>> -> memref<200xi32, #tpu.memory_space<vmem>>
            %dma_start3A_240 = arith.constant 0 : i32
            %dma_start3A_241 = arith.constant 0 : i32
            %dma_start3A_242 = tpu.memref_slice %arg6[%dma_start3A_240, %dma_start3A_241] : memref<1000x64xf32, #tpu.memory_space<vmem_shared>> -> memref<1000x64xf32, #tpu.memory_space<vmem_shared>>
            tpu.enqueue_indirect_dma source(%dma_start3A_242 : memref<1000x64xf32, #tpu.memory_space<vmem_shared>>) target(%arg8 : memref<200x64xf32, #tpu.memory_space<vmem>>) offsets(%dma_start3A_239 : memref<200xi32, #tpu.memory_space<vmem>>) semaphore(%arg14 : memref<!tpu.dma_semaphore, #tpu.memory_space<semaphore_mem>>)
          } else {
          }
        } else {
        }
        %dma_wait3A_175 = arith.constant 0 : i32
        %dma_wait3A_176 = tpu.memref_slice %arg5[%dma_wait3A_175] : memref<25000xi32, #tpu.memory_space<vmem>> -> memref<200xi32, #tpu.memory_space<vmem>>
        %dma_wait3A_177 = arith.constant 0 : i32
        %dma_wait3A_178 = arith.constant 0 : i32
        %dma_wait3A_179 = tpu.memref_slice %arg6[%dma_wait3A_177, %dma_wait3A_178] : memref<1000x64xf32, #tpu.memory_space<vmem_shared>> -> memref<1000x64xf32, #tpu.memory_space<vmem_shared>>
        tpu.wait_indirect_dma semaphore(%arg17 : memref<!tpu.dma_semaphore, #tpu.memory_space<semaphore_mem>>) src(%dma_wait3A_179 : memref<1000x64xf32, #tpu.memory_space<vmem_shared>>) dst(%arg11 : memref<200x64xf32, #tpu.memory_space<vmem>>)
        %mul3A_180 = arith.constant 200 : i32
        %mul3A_181 = arith.muli %scan3A_47, %mul3A_180 : i32
        %add3A_182 = arith.addi %mul3A_2, %mul3A_181 : i32
        %dma_start3A_183 = arith.constant 0 : i32
        %dma_start3A_184 = tpu.memref_slice %arg4[%add3A_182, %dma_start3A_183] : memref<800000x128xf32, #tpu.memory_space<hbm>> -> memref<200x64xf32, #tpu.memory_space<hbm>>
        %dma_start3A_185 = arith.constant 0 : i32
        %dma_start3A_186 = tpu.memref_slice %arg4[%add3A_182, %dma_start3A_185] : memref<800000x128xf32, #tpu.memory_space<hbm>> -> memref<200x64xf32, #tpu.memory_space<hbm>>
        tpu.enqueue_dma source(%arg11 : memref<200x64xf32, #tpu.memory_space<vmem>>) target(%dma_start3A_186 : memref<200x64xf32, #tpu.memory_space<hbm>>) target_semaphore(%arg23 : memref<!tpu.dma_semaphore, #tpu.memory_space<semaphore_mem>>)
      } else {
      }
      %jit3A_147 = arith.constant 6 : i32
      %eq3A_148 = arith.constant 0 : i32
      %eq3A_149 = arith.cmpi eq, %jit3A_147, %eq3A_148 : i32
      %jit3A_150 = arith.constant 1 : i32
      %select_n3A_151 = arith.select %eq3A_149, %jit3A_150, %jit3A_147 : i32
      %rem3A_152 = arith.remsi %scan3A_47, %select_n3A_151 : i32
      %ne3A_153 = arith.constant 0 : i32
      %ne3A_154 = arith.cmpi ne, %rem3A_152, %ne3A_153 : i32
      %lt3A_155 = arith.constant 0 : i32
      %lt3A_156 = arith.cmpi slt, %rem3A_152, %lt3A_155 : i32
      %lt3A_157 = arith.constant 0 : i32
      %lt3A_158 = arith.cmpi slt, %select_n3A_151, %lt3A_157 : i32
      %ne3A_159 = arith.xori %lt3A_156, %lt3A_158 : i1
      %and3A_160 = arith.andi %ne3A_159, %ne3A_154 : i1
      %add3A_161 = arith.addi %rem3A_152, %select_n3A_151 : i32
      %select_n3A_162 = arith.select %and3A_160, %add3A_161, %rem3A_152 : i32
      %eq3A_163 = arith.constant 5 : i32
      %eq3A_164 = arith.cmpi eq, %select_n3A_162, %eq3A_163 : i32
      %convert_element_type3A_165 = arith.extui %eq3A_164 : i1 to i32
      %cond3A_166 = arith.constant 0 : i32
      %cond3A_167 = arith.cmpi ne, %convert_element_type3A_165, %cond3A_166 : i32
      scf.if %cond3A_167 {
        %add3A_168 = arith.constant 3 : i32
        %add3A_169 = arith.addi %scan3A_47, %add3A_168 : i32
        %lt3A_170 = arith.constant 125 : i32
        %lt3A_171 = arith.cmpi slt, %add3A_169, %lt3A_170 : i32
        %convert_element_type3A_172 = arith.extui %lt3A_171 : i1 to i32
        %cond3A_173 = arith.constant 0 : i32
        %cond3A_174 = arith.cmpi ne, %convert_element_type3A_172, %cond3A_173 : i32
        scf.if %cond3A_174 {
          %add3A_187 = arith.constant 3 : i32
          %add3A_188 = arith.addi %scan3A_47, %add3A_187 : i32
          %ge3A = arith.constant 6 : i32
          %ge3A_189 = arith.cmpi sge, %add3A_188, %ge3A : i32
          %convert_element_type3A_190 = arith.extui %ge3A_189 : i1 to i32
          %cond3A_191 = arith.constant 0 : i32
          %cond3A_192 = arith.cmpi ne, %convert_element_type3A_190, %cond3A_191 : i32
          scf.if %cond3A_192 {
            %dma_wait3A_237 = arith.constant 0 : i32
            %dma_wait3A_238 = tpu.memref_slice %arg4[%mul3A_2, %dma_wait3A_237] : memref<800000x128xf32, #tpu.memory_space<hbm>> -> memref<200x64xf32, #tpu.memory_space<hbm>>
            %dma_wait3A_239 = arith.constant 0 : i32
            %dma_wait3A_240 = tpu.memref_slice %arg4[%mul3A_2, %dma_wait3A_239] : memref<800000x128xf32, #tpu.memory_space<hbm>> -> memref<200x64xf32, #tpu.memory_space<hbm>>
            tpu.wait_dma2 semaphore(%arg21 : memref<!tpu.dma_semaphore, #tpu.memory_space<semaphore_mem>>) src(%arg9 : memref<200x64xf32, #tpu.memory_space<vmem>>) dst(%dma_wait3A_240 : memref<200x64xf32, #tpu.memory_space<hbm>>)
          } else {
          }
          %add3A_193 = arith.constant 3 : i32
          %add3A_194 = arith.addi %scan3A_47, %add3A_193 : i32
          %jit3A_195 = arith.constant 5 : i32
          %eq3A_196 = arith.constant 0 : i32
          %eq3A_197 = arith.cmpi eq, %jit3A_195, %eq3A_196 : i32
          %jit3A_198 = arith.constant 1 : i32
          %select_n3A_199 = arith.select %eq3A_197, %jit3A_198, %jit3A_195 : i32
          %rem3A_200 = arith.remsi %add3A_194, %select_n3A_199 : i32
          %ne3A_201 = arith.constant 0 : i32
          %ne3A_202 = arith.cmpi ne, %rem3A_200, %ne3A_201 : i32
          %lt3A_203 = arith.constant 0 : i32
          %lt3A_204 = arith.cmpi slt, %rem3A_200, %lt3A_203 : i32
          %lt3A_205 = arith.constant 0 : i32
          %lt3A_206 = arith.cmpi slt, %select_n3A_199, %lt3A_205 : i32
          %ne3A_207 = arith.xori %lt3A_204, %lt3A_206 : i1
          %and3A_208 = arith.andi %ne3A_207, %ne3A_202 : i1
          %add3A_209 = arith.addi %rem3A_200, %select_n3A_199 : i32
          %select_n3A_210 = arith.select %and3A_208, %add3A_209, %rem3A_200 : i32
          %eq3A_211 = arith.constant 4 : i32
          %eq3A_212 = arith.cmpi eq, %select_n3A_210, %eq3A_211 : i32
          %convert_element_type3A_213 = arith.extui %eq3A_212 : i1 to i32
          %cond3A_214 = arith.constant 0 : i32
          %cond3A_215 = arith.cmpi ne, %convert_element_type3A_213, %cond3A_214 : i32
          scf.if %cond3A_215 {
            %mul3A_237 = arith.constant 200 : i32
            %mul3A_238 = arith.muli %add3A_194, %mul3A_237 : i32
            %dma_start3A_239 = tpu.memref_slice %arg5[%mul3A_238] : memref<25000xi32, #tpu.memory_space<vmem>> -> memref<200xi32, #tpu.memory_space<vmem>>
            %dma_start3A_240 = arith.constant 0 : i32
            %dma_start3A_241 = arith.constant 0 : i32
            %dma_start3A_242 = tpu.memref_slice %arg3[%dma_start3A_240, %dma_start3A_241] : memref<1000x64xf32, #tpu.memory_space<hbm>> -> memref<1000x64xf32, #tpu.memory_space<hbm>>
            tpu.enqueue_indirect_dma source(%dma_start3A_242 : memref<1000x64xf32, #tpu.memory_space<hbm>>) target(%arg9 : memref<200x64xf32, #tpu.memory_space<vmem>>) offsets(%dma_start3A_239 : memref<200xi32, #tpu.memory_space<vmem>>) semaphore(%arg15 : memref<!tpu.dma_semaphore, #tpu.memory_space<semaphore_mem>>)
          } else {
          }
          %jit3A_216 = arith.constant 5 : i32
          %eq3A_217 = arith.constant 0 : i32
          %eq3A_218 = arith.cmpi eq, %jit3A_216, %eq3A_217 : i32
          %jit3A_219 = arith.constant 1 : i32
          %select_n3A_220 = arith.select %eq3A_218, %jit3A_219, %jit3A_216 : i32
          %rem3A_221 = arith.remsi %add3A_194, %select_n3A_220 : i32
          %ne3A_222 = arith.constant 0 : i32
          %ne3A_223 = arith.cmpi ne, %rem3A_221, %ne3A_222 : i32
          %lt3A_224 = arith.constant 0 : i32
          %lt3A_225 = arith.cmpi slt, %rem3A_221, %lt3A_224 : i32
          %lt3A_226 = arith.constant 0 : i32
          %lt3A_227 = arith.cmpi slt, %select_n3A_220, %lt3A_226 : i32
          %ne3A_228 = arith.xori %lt3A_225, %lt3A_227 : i1
          %and3A_229 = arith.andi %ne3A_228, %ne3A_223 : i1
          %add3A_230 = arith.addi %rem3A_221, %select_n3A_220 : i32
          %select_n3A_231 = arith.select %and3A_229, %add3A_230, %rem3A_221 : i32
          %ne3A_232 = arith.constant 4 : i32
          %ne3A_233 = arith.cmpi ne, %select_n3A_231, %ne3A_232 : i32
          %convert_element_type3A_234 = arith.extui %ne3A_233 : i1 to i32
          %cond3A_235 = arith.constant 0 : i32
          %cond3A_236 = arith.cmpi ne, %convert_element_type3A_234, %cond3A_235 : i32
          scf.if %cond3A_236 {
            %mul3A_237 = arith.constant 200 : i32
            %mul3A_238 = arith.muli %add3A_194, %mul3A_237 : i32
            %dma_start3A_239 = tpu.memref_slice %arg5[%mul3A_238] : memref<25000xi32, #tpu.memory_space<vmem>> -> memref<200xi32, #tpu.memory_space<vmem>>
            %dma_start3A_240 = arith.constant 0 : i32
            %dma_start3A_241 = arith.constant 0 : i32
            %dma_start3A_242 = tpu.memref_slice %arg6[%dma_start3A_240, %dma_start3A_241] : memref<1000x64xf32, #tpu.memory_space<vmem_shared>> -> memref<1000x64xf32, #tpu.memory_space<vmem_shared>>
            tpu.enqueue_indirect_dma source(%dma_start3A_242 : memref<1000x64xf32, #tpu.memory_space<vmem_shared>>) target(%arg9 : memref<200x64xf32, #tpu.memory_space<vmem>>) offsets(%dma_start3A_239 : memref<200xi32, #tpu.memory_space<vmem>>) semaphore(%arg15 : memref<!tpu.dma_semaphore, #tpu.memory_space<semaphore_mem>>)
          } else {
          }
        } else {
        }
        %dma_wait3A_175 = arith.constant 0 : i32
        %dma_wait3A_176 = tpu.memref_slice %arg5[%dma_wait3A_175] : memref<25000xi32, #tpu.memory_space<vmem>> -> memref<200xi32, #tpu.memory_space<vmem>>
        %dma_wait3A_177 = arith.constant 0 : i32
        %dma_wait3A_178 = arith.constant 0 : i32
        %dma_wait3A_179 = tpu.memref_slice %arg6[%dma_wait3A_177, %dma_wait3A_178] : memref<1000x64xf32, #tpu.memory_space<vmem_shared>> -> memref<1000x64xf32, #tpu.memory_space<vmem_shared>>
        tpu.wait_indirect_dma semaphore(%arg18 : memref<!tpu.dma_semaphore, #tpu.memory_space<semaphore_mem>>) src(%dma_wait3A_179 : memref<1000x64xf32, #tpu.memory_space<vmem_shared>>) dst(%arg12 : memref<200x64xf32, #tpu.memory_space<vmem>>)
        %mul3A_180 = arith.constant 200 : i32
        %mul3A_181 = arith.muli %scan3A_47, %mul3A_180 : i32
        %add3A_182 = arith.addi %mul3A_2, %mul3A_181 : i32
        %dma_start3A_183 = arith.constant 0 : i32
        %dma_start3A_184 = tpu.memref_slice %arg4[%add3A_182, %dma_start3A_183] : memref<800000x128xf32, #tpu.memory_space<hbm>> -> memref<200x64xf32, #tpu.memory_space<hbm>>
        %dma_start3A_185 = arith.constant 0 : i32
        %dma_start3A_186 = tpu.memref_slice %arg4[%add3A_182, %dma_start3A_185] : memref<800000x128xf32, #tpu.memory_space<hbm>> -> memref<200x64xf32, #tpu.memory_space<hbm>>
        tpu.enqueue_dma source(%arg12 : memref<200x64xf32, #tpu.memory_space<vmem>>) target(%dma_start3A_186 : memref<200x64xf32, #tpu.memory_space<hbm>>) target_semaphore(%arg24 : memref<!tpu.dma_semaphore, #tpu.memory_space<semaphore_mem>>)
      } else {
      }
    }
    %scan3A_23 = arith.constant 125 : i32
    %dma_wait3A = arith.constant 0 : i32
    %dma_wait3A_24 = tpu.memref_slice %arg4[%mul3A_2, %dma_wait3A] : memref<800000x128xf32, #tpu.memory_space<hbm>> -> memref<200x64xf32, #tpu.memory_space<hbm>>
    %dma_wait3A_25 = arith.constant 0 : i32
    %dma_wait3A_26 = tpu.memref_slice %arg4[%mul3A_2, %dma_wait3A_25] : memref<800000x128xf32, #tpu.memory_space<hbm>> -> memref<200x64xf32, #tpu.memory_space<hbm>>
    tpu.wait_dma2 semaphore(%arg19 : memref<!tpu.dma_semaphore, #tpu.memory_space<semaphore_mem>>) src(%arg7 : memref<200x64xf32, #tpu.memory_space<vmem>>) dst(%dma_wait3A_26 : memref<200x64xf32, #tpu.memory_space<hbm>>)
    %dma_wait3A_27 = arith.constant 0 : i32
    %dma_wait3A_28 = tpu.memref_slice %arg4[%mul3A_2, %dma_wait3A_27] : memref<800000x128xf32, #tpu.memory_space<hbm>> -> memref<200x64xf32, #tpu.memory_space<hbm>>
    %dma_wait3A_29 = arith.constant 0 : i32
    %dma_wait3A_30 = tpu.memref_slice %arg4[%mul3A_2, %dma_wait3A_29] : memref<800000x128xf32, #tpu.memory_space<hbm>> -> memref<200x64xf32, #tpu.memory_space<hbm>>
    tpu.wait_dma2 semaphore(%arg20 : memref<!tpu.dma_semaphore, #tpu.memory_space<semaphore_mem>>) src(%arg8 : memref<200x64xf32, #tpu.memory_space<vmem>>) dst(%dma_wait3A_30 : memref<200x64xf32, #tpu.memory_space<hbm>>)
    %dma_wait3A_31 = arith.constant 0 : i32
    %dma_wait3A_32 = tpu.memref_slice %arg4[%mul3A_2, %dma_wait3A_31] : memref<800000x128xf32, #tpu.memory_space<hbm>> -> memref<200x64xf32, #tpu.memory_space<hbm>>
    %dma_wait3A_33 = arith.constant 0 : i32
    %dma_wait3A_34 = tpu.memref_slice %arg4[%mul3A_2, %dma_wait3A_33] : memref<800000x128xf32, #tpu.memory_space<hbm>> -> memref<200x64xf32, #tpu.memory_space<hbm>>
    tpu.wait_dma2 semaphore(%arg21 : memref<!tpu.dma_semaphore, #tpu.memory_space<semaphore_mem>>) src(%arg9 : memref<200x64xf32, #tpu.memory_space<vmem>>) dst(%dma_wait3A_34 : memref<200x64xf32, #tpu.memory_space<hbm>>)
    %dma_wait3A_35 = arith.constant 0 : i32
    %dma_wait3A_36 = tpu.memref_slice %arg4[%mul3A_2, %dma_wait3A_35] : memref<800000x128xf32, #tpu.memory_space<hbm>> -> memref<200x64xf32, #tpu.memory_space<hbm>>
    %dma_wait3A_37 = arith.constant 0 : i32
    %dma_wait3A_38 = tpu.memref_slice %arg4[%mul3A_2, %dma_wait3A_37] : memref<800000x128xf32, #tpu.memory_space<hbm>> -> memref<200x64xf32, #tpu.memory_space<hbm>>
    tpu.wait_dma2 semaphore(%arg22 : memref<!tpu.dma_semaphore, #tpu.memory_space<semaphore_mem>>) src(%arg10 : memref<200x64xf32, #tpu.memory_space<vmem>>) dst(%dma_wait3A_38 : memref<200x64xf32, #tpu.memory_space<hbm>>)
    %dma_wait3A_39 = arith.constant 0 : i32
    %dma_wait3A_40 = tpu.memref_slice %arg4[%mul3A_2, %dma_wait3A_39] : memref<800000x128xf32, #tpu.memory_space<hbm>> -> memref<200x64xf32, #tpu.memory_space<hbm>>
    %dma_wait3A_41 = arith.constant 0 : i32
    %dma_wait3A_42 = tpu.memref_slice %arg4[%mul3A_2, %dma_wait3A_41] : memref<800000x128xf32, #tpu.memory_space<hbm>> -> memref<200x64xf32, #tpu.memory_space<hbm>>
    tpu.wait_dma2 semaphore(%arg23 : memref<!tpu.dma_semaphore, #tpu.memory_space<semaphore_mem>>) src(%arg11 : memref<200x64xf32, #tpu.memory_space<vmem>>) dst(%dma_wait3A_42 : memref<200x64xf32, #tpu.memory_space<hbm>>)
    %dma_wait3A_43 = arith.constant 0 : i32
    %dma_wait3A_44 = tpu.memref_slice %arg4[%mul3A_2, %dma_wait3A_43] : memref<800000x128xf32, #tpu.memory_space<hbm>> -> memref<200x64xf32, #tpu.memory_space<hbm>>
    %dma_wait3A_45 = arith.constant 0 : i32
    %dma_wait3A_46 = tpu.memref_slice %arg4[%mul3A_2, %dma_wait3A_45] : memref<800000x128xf32, #tpu.memory_space<hbm>> -> memref<200x64xf32, #tpu.memory_space<hbm>>
    tpu.wait_dma2 semaphore(%arg24 : memref<!tpu.dma_semaphore, #tpu.memory_space<semaphore_mem>>) src(%arg12 : memref<200x64xf32, #tpu.memory_space<vmem>>) dst(%dma_wait3A_46 : memref<200x64xf32, #tpu.memory_space<hbm>>)
    return
  }
}

module attributes {stable_mosaic.version = 14 : i64} {
  func.func @_matmul_body(%arg0: memref<1000x64xf32, #tpu.memory_space<vmem>>, %arg1: memref<64x64xf32, #tpu.memory_space<vmem>>, %arg2: memref<1000x64xf32, #tpu.memory_space<vmem>>) attributes {dimension_semantics = [], scalar_prefetch = 0 : i64, scratch_operands = 0 : i64, tpu.core_type = #tpu.core_type<tc>} {
    %get3A = arith.constant 0 : index
    %get3A_0 = arith.constant 0 : index
    %get3A_1 = vector.load %arg0[%get3A, %get3A_0] : memref<1000x64xf32, #tpu.memory_space<vmem>>, vector<1000x64xf32>
    %get3A_2 = arith.constant 0 : index
    %get3A_3 = arith.constant 0 : index
    %get3A_4 = vector.load %arg1[%get3A_2, %get3A_3] : memref<64x64xf32, #tpu.memory_space<vmem>>, vector<64x64xf32>
    %dot_general3A = arith.constant dense<0.000000e+00> : vector<1000x64xf32>
    %dot_general3A_5 = tpu.matmul %get3A_1, %get3A_4, %dot_general3A {dimension_numbers = #tpu.dot_dimension_numbers<[1], [0], [0], [1], [0, 0, 1, 1], [], []>, transpose_lhs_hint = false} : vector<1000x64xf32>, vector<64x64xf32>, vector<1000x64xf32> -> vector<1000x64xf32>
    %swap3A = arith.constant 0 : index
    %swap3A_6 = arith.constant 0 : index
    %swap3A_7 = vector.load %arg2[%swap3A, %swap3A_6] : memref<1000x64xf32, #tpu.memory_space<vmem>>, vector<1000x64xf32>
    tpu.vector_store %arg2[%swap3A, %swap3A_6], %dot_general3A_5 {strides = array<i32>} : memref<1000x64xf32, #tpu.memory_space<vmem>>, vector<1000x64xf32>,
    return
  }
}

</mosaic_0001>

<sc_bundles>
// kernel: kernel.4.cloned.1.call-start
scs
__scs_entry_jumppad:
0x0: {  	(pc) =	sbr.rel $0x88, $3  }
0x1: {  	(tag) =	ssettag $0x0;
	lr =	simm.s32 $0x1  }
0x2: {  	[smem:$0x3F9E] =	sst lr;
	_ =	strace $0xD0000000  }
0x3: {  	_ = 	snop  }
0x4: {  	_ = 	snop  }
0x5: {  	_ = 	snop  }
0x6: {  	_ = 	snop  }
0x7: {  	_ = 	snop  }
__scs_overlays_trampoline_lowered:
0x8: {  	[smem:$0x3FAD] =	sst s0  }
0x9: {  	[smem:$0x3FAE] =	sst s1  }
0xa: {  	[smem:$0x3FAF] =	sst s2  }
0xb: {  	[smem:$0x3FB0] =	sst s3  }
0xc: {  	[smem:$0x3FB1] =	sst s4  }
0xd: {  	[smem:$0x3FB2] =	sst s5  }
0xe: {  	[smem:$0x3FB3] =	sst s6  }
0xf: {  	[smem:$0x3FB4] =	sst s7  }
0x10: {  	[smem:$0x3FB5] =	sst s8  }
0x11: {  	[smem:$0x3FB6] =	sst s9;
	s0 =	simm.s32 @!p0 $0x0  }
0x12: {  	s1 =	sld [smem:$0x3F9C];
	s0 =	simm.s32 @p0 $0x1  }
0x13: {  	[smem:$0x3FB7] =	sst s0;
	s0 =	simm.s32 @!p1 $0x0  }
0x14: {  	s2 =	sld [smem:$0x3F9B];
	s0 =	simm.s32 @p1 $0x1  }
0x15: {  	[smem:$0x3FB8] =	sst s0;
	s0 =	simm.s32 @!p2 $0x0  }
0x16: {  	s3 =	sld [smem:$0x3FDB];
	s0 =	simm.s32 @p2 $0x1  }
0x17: {  	s4 =	simm.s32 $0x1BF5;
	[smem:$0x3FBA] =	sst s0  }
0x18: {  	s0 =	sld [smem:$0x3F9D];
	_ =	swait.ge [sflag:s4], $0x0  }
0x19: {  	s7 =	sld [smem:$0x3F9E]  }
0x1a: {  	s8 =	sadd.s32 $0xFFFFE003, lr  }
0x1b: {  	s9 =	sadd.s32 $0xFFFFFEF7, lr;
	s5 =	simm.s32 $0xFFFFFFFF;
	p2 =	slt.u32 s8, $0xFFFFF086  }
0x1c: {  	p1 =	slt.u32 s9, $0xF7A;
	s5 =	simm.s32 @!p2 $0x0  }
0x1d: {  	s5 =	simm.s32 @p1 $0x1;
	p0 =	seq.s32 s7, s2  }
0x1e: {  	s7 =	smul.u32 @!p0 $0xF7A, s2;
	p2 =	seq.s32 @!p0 s5, $0x0  }
0x1f: {  	s9 =	smul.u32 $0xF7A, s1;
	s8 =	simm.s32 @!p0 $0x1BF5;
	p2 =	por !p2, p0  }
0x20: {  	[sflag:s8] =	ssyncset.s32 @!p0 $0xFFFFF086;
	s6 =	sadd.s32 @!p0 s3, s7;
	s7 =	simm.s32 @!p0 $0x108  }
0x21: {  	s3 =	sadd.s32 s3, s9;
	s6 =	sadd.s32 @!p0 $0x88, s6;
	s7 =	simm.s32 @p2 $0x1082  }
0x22: {  	[simem:s7], [sflag:s8] =	dma.local @!p0 [hbm:s6], $0xF7A  }
0x23: {  	s9 =	sor.u32 $0xD0000000, s2;
	s6 =	simm.s32 $0x108;
	_ =	swait.ge @!p0 [sflag:s8], $0x0  }
0x24: {  	s3 =	sadd.s32 $0x88, s3;
	s6 =	simm.s32 @!p1 $0x1082;
	[sflag:s4] =	ssyncset.s32 $0xFFFFF086  }
0x25: {  	[simem:s6], [sflag:s4] =	dma.local [hbm:s3], $0xF7A  }
0x26: {  	[smem:$0x3F9E] =	sst s1;
	(tag) =	ssettag s2;
	_ =	strace s9  }
0x27: {  	s1 =	sld [smem:$0x3FAE]  }
0x28: {  	s2 =	sld [smem:$0x3FAF]  }
0x29: {  	s4 =	sld [smem:$0x3FB1]  }
0x2a: {  	p0 =	seq.s32 s5, $0x0;
	s5 =	sld [smem:$0x3FB2]  }
0x2b: {  	s6 =	sld [smem:$0x3FB3]  }
0x2c: {  	s7 =	sld [smem:$0x3FB4]  }
0x2d: {  	s3 =	simm.s32 $0x108;
	s8 =	sld [smem:$0x3FB5]  }
0x2e: {  	s3 =	simm.s32 @!p0 $0x1082;
	s9 =	sld [smem:$0x3FB6]  }
0x2f: {  	lr =	sadd.s32 s0, s3;
	s0 =	sld [smem:$0x3FAD]  }
0x30: {  	s3 =	sld [smem:$0x3FB0]  }
0x31: {  	[smem:$0x3FB9] =	sst s10  }
0x32: {  	s10 =	sld [smem:$0x3FB7];
	_ =	sdelay $0x3  }
0x33: {  	p0 =	seq.s32 s10, $0x1;
	s10 =	sld [smem:$0x3FB9];
	_ =	sdelay $0x3  }
0x34: {  	[smem:$0x3FB9] =	sst s10  }
0x35: {  	s10 =	sld [smem:$0x3FB8];
	_ =	sdelay $0x3  }
0x36: {  	p1 =	seq.s32 s10, $0x1;
	s10 =	sld [smem:$0x3FB9];
	_ =	sdelay $0x3  }
0x37: {  	[smem:$0x3FB9] =	sst s10  }
0x38: {  	s10 =	sld [smem:$0x3FBA]  }
0x39: {  	_ = 	snop;
	(pc) =	sbr.ind lr, $3  }
0x3a: {  	_ = 	snop  }
0x3b: {  	_ = 	snop  }
0x3c: {  	p2 =	seq.s32 s10, $0x1;
	s10 =	sld [smem:$0x3FB9]  }
0x3d: {  	_ =	shalt  }
0x3e: {  	_ =	shalt  }
0x3f: {  	_ =	shalt  }
0x40: {  	_ =	shalt  }
0x41: {  	_ =	shalt  }
0x42: {  	_ =	shalt  }
0x43: {  	_ =	shalt  }
0x44: {  	_ =	shalt  }
0x45: {  	_ =	shalt  }
0x46: {  	_ =	shalt  }
0x47: {  	_ =	shalt  }
0x48: {  	_ =	shalt  }
0x49: {  	_ =	shalt  }
0x4a: {  	_ =	shalt  }
0x4b: {  	_ =	shalt  }
0x4c: {  	_ =	shalt  }
0x4d: {  	_ =	shalt  }
0x4e: {  	_ =	shalt  }
0x4f: {  	_ =	shalt  }
0x50: {  	_ =	shalt  }
0x51: {  	_ =	shalt  }
0x52: {  	_ =	shalt  }
0x53: {  	_ =	shalt  }
0x54: {  	_ =	shalt  }
0x55: {  	_ =	shalt  }
0x56: {  	_ =	shalt  }
0x57: {  	_ =	shalt  }
0x58: {  	_ =	shalt  }
0x59: {  	_ =	shalt  }
0x5a: {  	_ =	shalt  }
0x5b: {  	_ =	shalt  }
0x5c: {  	_ =	shalt  }
0x5d: {  	_ =	shalt  }
0x5e: {  	_ =	shalt  }
0x5f: {  	_ =	shalt  }
0x60: {  	_ =	shalt  }
0x61: {  	_ =	shalt  }
0x62: {  	_ =	shalt  }
0x63: {  	_ =	shalt  }
0x64: {  	_ =	shalt  }
0x65: {  	_ =	shalt  }
0x66: {  	_ =	shalt  }
0x67: {  	_ =	shalt  }
0x68: {  	_ =	shalt  }
0x69: {  	_ =	shalt  }
0x6a: {  	_ =	shalt  }
0x6b: {  	_ =	shalt  }
0x6c: {  	_ =	shalt  }
0x6d: {  	_ =	shalt  }
0x6e: {  	_ =	shalt  }
0x6f: {  	_ =	shalt  }
0x70: {  	_ =	shalt  }
0x71: {  	_ =	shalt  }
0x72: {  	_ =	shalt  }
0x73: {  	_ =	shalt  }
0x74: {  	_ =	shalt  }
0x75: {  	_ =	shalt  }
0x76: {  	_ =	shalt  }
0x77: {  	_ =	shalt  }
0x78: {  	_ =	shalt  }
0x79: {  	_ =	shalt  }
0x7a: {  	_ =	shalt  }
0x7b: {  	_ =	shalt  }
0x7c: {  	_ =	shalt  }
0x7d: {  	_ =	shalt  }
0x7e: {  	_ =	shalt  }
0x7f: {  	_ =	shalt  }
0x80: {  	_ =	shalt  }
0x81: {  	_ =	shalt  }
0x82: {  	_ =	shalt  }
0x83: {  	_ =	shalt  }
0x84: {  	_ =	shalt  }
0x85: {  	_ =	shalt  }
0x86: {  	_ =	shalt  }
0x87: {  	_ =	shalt  }
.Lfunc_end0:
.L_simem_size_0:
called_computation.1_lowered:
.L_overlay_start_0:
0x88: {  	s2 =	sld [smem:$0x3FD9]  }
0x89: {  	s3 =	sld [smem:$0x3FFE];
	_ =	sdelay $0x1  }
0x8a: {  	s1 =	srdreg.scid  }
0x8b: {  	s0 =	sand.u32 $0x1, s1  }
0x8c: {  	s17 =	sshll.u32 s0, $0xA;
	s2 =	sadd.s32 s3, s2  }
0x8d: {  	s2 =	sadd.s32 s2, s17  }
0x8e: {  	[smem:$0x3FC5] =	sst s2  }
0x8f: {  	_ = 	snop  }
0x90: {  	s2 =	sld [smem:$0x3FC9]  }
0x91: {  	s18 =	sld [smem:$0x3FD0];
	(tm) =	ssettm $0x1  }
0x92: {  	s4 =	sld [smem:$0x3FFB];
	_ =	sdelay $0x3  }
0x93: {  	_ =	strace s4  }
0x94: {  	s4 =	sld [smem:$0x3FFC];
	_ =	sdelay $0x3  }
0x95: {  	_ =	strace s4  }
0x96: {  	s4 =	sld [smem:$0x3FFD];
	_ =	sdelay $0x3  }
0x97: {  	_ =	strace s4  }
0x98: {  	_ =	strace $0x8FFFFFFF  }
0x99: {  	s19 =	sld [smem:$0x3FDB];
	_ =	sdelay $0x1  }
0x9a: {  	s5 =	simm.s32 $_scs_section_size  }
0x9b: {  	s6 =	simm.s32 $_size__tile_overlayer_lowered;
	s7 =	simm.s32 $_tile_overlayer_lowered  }
0x9c: {  	s22 =	simm.s32 $0x1BFF;
	s21 =	sshll.u32 s7, $0x1;
	s4 =	sadd.s32 s5, s19  }
0x9d: {  	s8 =	simm.s32 $0x0;
	s20 =	sshll.u32 s6, $0x1;
	s6 =	sadd.s32 s21, s4  }
0x9e: {  	[timem:s8], [sflag:s22] =	dma.local [hbm:s6], s20  }
0x9f: {  	_ =	swait.ge [sflag:s22], s20  }
0xa0: {  	s5 =	ssub.s32 $0x0, s20;
	[sflag:s22] =	ssyncset.done $0x0  }
0xa1: {  	[sflag:s22] =	ssyncadd.s32 s5;
	_ =	sdelay $0x1  }
0xa2: {  	s23 =	simm.s32 $0x1B8B  }
0xa3: {  	_ =	swait.ge [sflag:s23], $0x1  }
0xa4: {  	[sflag:s23] =	ssyncset.done $0x0  }
0xa5: {  	s25 =	simm.s32 $0x1B8E;
	s24 =	sld [smem:$0x3FFE];
	[sflag:s23] =	ssyncadd.s32 $0xFFFFFFFF  }
0xa6: {  	s26 =	simm.s32 $execute0_lowered;
	[smem:$0x3FD2] =	sst s25  }
0xa7: {  	s6 =	sshll.u32 s26, $0x1;
	_ =	strace $0x80000046;
	[dreg:$0x1] =	wrdreg $0xFFFFFFFF  }
0xa8: {  	s28 =	simm.s32 $_size_execute0_lowered;
	s4 =	sadd.s32 s4, s6;
	[dreg:$0x0] =	wrdreg $0x0  }
0xa9: {  	s6 =	sshll.u32 s28, $0x1;
	[dreg:$0x2] =	wrdreg s4  }
0xaa: {  	[dreg:$0x3] =	wrdreg s6  }
0xab: {  	[dreg:$0x4] =	wrdreg $0xC0  }
0xac: {  	_ =	task [dreg:s8], $0x5FFFF  }
0xad: {  	[dreg:$0x1] =	wrdreg $0xFFFFFFFF  }
0xae: {  	[dreg:$0x0] =	wrdreg $0x60  }
0xaf: {  	[dreg:$0x2] =	wrdreg s2  }
0xb0: {  	[dreg:$0x3] =	wrdreg s18  }
0xb1: {  	[dreg:$0x4] =	wrdreg s24  }
0xb2: {  	[dreg:$0x5] =	wrdreg $0x61A80  }
0xb3: {  	[dreg:$0x6] =	wrdreg $0x9  }
0xb4: {  	_ =	task.clear_ibuf [dreg:s8], $0x7FFFF;
	_ =	strace $0x90000046  }
0xb5: {  	s29 =	simm.s32 $0x9;
	_ =	strace $0x80000048  }
0xb6: {  	_ =	swait.ge [sflag:s29], $0x1  }
0xb7: {  	[sflag:s29] =	ssyncadd.s32 $0xFFFFFFFF  }
0xb8: {  	_ =	strace $0x90000048  }
0xb9: {  	_ =	sfence  }
0xba: {  	s30 =	sld [smem:$0x0];
	_ =	sdelay $0x2  }
0xbb: {  	s31 =	sshll.u32 s1, $0xD;
	s1 =	sshrl.u32 s1, $0x2  }
0xbc: {  	s3 =	sand.u32 $0x4000, s31;
	s1 =	sadd.s32 s1, s30  }
0xbd: {  	s0 =	sor.u32 s3, s0;
	s1 =	sshll.u32 s1, $0x11  }
0xbe: {  	s0 =	sor.u32 s1, s0  }
0xbf: {  	s0 =	sadd.s32 $0x8F2B, s0  }
0xc0: {  	[sflag:s0] =	ssyncadd.remote.s32 $0x1  }
0xc1: {  	_ =	sfence.sel $0xFFFF  }
0xc2: {  	[dreg:$0x0] =	wrdreg $0xFFFFFFFF;
	(pc) =	sbr.abs _section_cstart, $3  }
0xc3: {  	[dreg:$0x1] =	wrdreg $0xFFFFFFFF  }
0xc4: {  	_ =	task.clear_ibuf [dreg:s8], $0x2FFFF;
	_ =	strace $0x9FFFFFFF  }
0xc5: {  	(tm) =	ssettm $0x7FFFFFFF  }
tec
execute0_lowered:
.L_overlay_start_1:
0x0: {  	(tag) =	ssettag $0x1  }
0x1: {  	s4 =	rddreg [dreg:$0x0]  }
0x2: {  	s1 =	rddreg [dreg:$0x1]  }
0x3: {  	s5 =	rddreg [dreg:$0x2]  }
0x4: {  	s2 =	rddreg [dreg:$0x3];
	s6 =	stileid.u32  }
0x5: {  	s3 =	srdreg.scid;
	s12 =	simm.s32 $0x190;
	s13 =	simm.s32 $0xD548  }
0x6: {  	s14 =	simm.s32 $0x1;
	s15 =	simm.s32 $0x40;
	s16 =	simm.s32 $0x80  }
0x7: {  	s17 =	simm.s32 $0x7;
	s18 =	simm.s32 $0x8;
	s19 =	simm.s32 $0x9  }
0x8: {  	s20 =	simm.s32 $0xA;
	s21 =	simm.s32 $0xB;
	s22 =	simm.s32 $0xC  }
0x9: {  	s23 =	simm.s32 $0x4;
	s24 =	simm.s32 $0x10748;
	s7 =	sand.u32 $0x1, s3  }
0xa: {  	s8 =	sshll.u32 s6, $0x1;
	s3 =	simm.s32 $0x0;
	s9 =	smul.u32 $0xC3500, s6  }
0xb: {  	s8 =	sor.u32 s7, s8;
	s10 =	ssub.s32 $0x2, s7;
	s7 =	smul.u32 $0x61A80, s7  }
0xc: {  	s25 =	simm.s32 $0x0;
	[smem:$0x7FF] =	sst s3;
	s8 =	smul.u32 $0x61A8, s8  }
.Ltmp0:
0xd: {  	p0 =	sne.s32 s6, $0x0;
	_ =	strace $0x80000047;
	(pc) =	sbr.rel .LBB2_1-.Ltmp0, $4  }
0xe: {  	s11 =	sshrl.u32 s10, $0x1;
	s5 =	sadd.s32 s9, s5;
	s9 =	simm.s32 $0xC8  }
0xf: {  	s31 =	ssub.s32 s10, s11;
	s7 =	sadd.s32 s7, s5;
	s10 =	simm.s32 $0x7148  }
0x10: {  	s8 =	sshrl.u32 s8, $0x3;
	s5 =	smax.u32 s31, $0x1;
	s6 =	sadd.s32 $0xA00, s7  }
0x11: {  	s7 =	sshrl.u32 @!p0 s2, $0x3;
	s4 =	sadd.s32 s4, s8;
	s8 =	simm.s32 $0xD  }
.LBB2_10:
0x12: {  	_ =	swait.ge [sflag:s17], $0x3200  }
0x13: {  	[sflag:s17] =	ssyncset.done $0x0  }
0x14: {  	[sflag:s17] =	ssyncadd.s32 $0xFFFFCE00  }
0x15: {  	_ =	swait.ge [sflag:s18], $0x3200  }
0x16: {  	[sflag:s18] =	ssyncset.done $0x0  }
0x17: {  	[sflag:s18] =	ssyncadd.s32 $0xFFFFCE00  }
0x18: {  	_ =	swait.ge [sflag:s19], $0x3200  }
0x19: {  	[sflag:s19] =	ssyncset.done $0x0  }
0x1a: {  	[sflag:s19] =	ssyncadd.s32 $0xFFFFCE00  }
0x1b: {  	_ =	swait.ge [sflag:s20], $0x3200  }
0x1c: {  	[sflag:s20] =	ssyncset.done $0x0  }
0x1d: {  	s25 =	sadd.s32 $0x1, s25;
	[sflag:s20] =	ssyncadd.s32 $0xFFFFCE00  }
0x1e: {  	p1 =	sne.s32 s25, s5;
	_ =	swait.ge [sflag:s21], $0x3200  }
.Ltmp1:
0x1f: {  	[sflag:s21] =	ssyncset.done $0x0;
	(pc) =	sbr.rel @!p1 .LBB2_11-.Ltmp1, $4  }
0x20: {  	[sflag:s21] =	ssyncadd.s32 $0xFFFFCE00  }
0x21: {  	_ =	swait.ge [sflag:s22], $0x3200  }
0x22: {  	[sflag:s22] =	ssyncset.done $0x0  }
0x23: {  	[sflag:s22] =	ssyncadd.s32 $0xFFFFCE00  }
.LBB2_1:
0x24: {  	s26 =	simm.s32 @!p0 $0x1C0D  }
0x25: {  	[spmem:s7], [sflag:s26] =	dma.local @!p0 [hbm:s1], $0x1F40  }
0x26: {  	s26 =	simm.s32 @!p0 $0xD  }
0x27: {  	_ =	swait.ge @!p0 [sflag:s26], $0x1F40  }
0x28: {  	[sflag:s26] =	ssyncset.done @!p0 $0x0  }
0x29: {  	[sflag:s26] =	ssyncadd.s32 @!p0 $0xFFFFE0C0  }
0x2a: {  	[bflag:$0x0] =	sbarrier.arrive $0xFFFF  }
0x2b: {  	[tilespmem:s3], [sflag:$0xD] =	stream.linear.gather [hbm4b:s4+s3], $0x61A8, $0x38;
	[tilespmem:$0x19D48] =	vst v63  }
0x2c: {  	_ =	swait.ge [sflag:s8], $0x61A8  }
0x2d: {  	[sflag:s8] =	ssyncset.done $0x0  }
0x2e: {  	[sflag:s8] =	ssyncadd.s32 $0xFFFF9E58  }
0x2f: {  	[tilespmem:s10], [sflag:$0x1] =	stream.indirect.gather [spmem:s2], $0x40, s3, s9, $0xb8;
	[tilespmem:$0x19D48] =	vst v63  }
.Ltmp2:
0x30: {  	_ = 	snop;
	(pc) =	sbr.rel .LBB2_2-.Ltmp2, $4  }
0x31: {  	s0 =	simm.s32 $0xA348  }
0x32: {  	[tilespmem:s0], [sflag:$0x2] =	stream.indirect.gather [spmem:s2], $0x40, s9, s9, $0xb8;
	[tilespmem:$0x19D48] =	vst v63  }
0x33: {  	s28 =	smov.u32 s6;
	s29 =	simm.s32 $0x0;
	s26 =	simm.s32 $0x258  }
0x34: {  	[tilespmem:s13], [sflag:$0x3] =	stream.indirect.gather [spmem:s2], $0x40, s12, s9, $0xb8;
	[tilespmem:$0x19D48] =	vst v63  }
.LBB2_8:
0x35: {  	p1 =	sgt.u32 s29, $0x79  }
0x36: {  	s0 =	smul.u32 @!p1 $0xFFFFFFCD, s30;
	_ =	sdelay $0x1  }
0x37: {  	s11 =	simm.s32 @!p1 $0x7;
	s0 =	sadd.s32 @!p1 $0xFFFFFFCC, s0  }
0x38: {  	_ =	swait.ge @!p1 [sflag:s11], $0x3200;
	s0 =	sand.u32 @!p1 $0xFF, s0  }
0x39: {  	[sflag:s11] =	ssyncset.done @!p1 $0x0;
	p2 =	sgt.u32 @!p1 s0, $0x32  }
0x3a: {  	[sflag:s11] =	ssyncadd.s32 @!p1 $0xFFFFCE00;
	p3 =	por !p2, p1  }
0x3b: {  	p1 =	por p2, p1;
	s0 =	simm.s32 @!p3 $0xC8;
	s11 =	simm.s32 @!p3 $0x7148  }
0x3c: {  	[tilespmem:s11], [sflag:$0x1] =	stream.indirect.gather @!p3 [spmem:s2], $0x40, s26, s0, $0xb8;
	[tilespmem:$0x19D48] =	vst v63  }
0x3d: {  	s0 =	simm.s32 @!p1 $0xC8;
	s11 =	simm.s32 @!p1 $0x7148  }
0x3e: {  	[tilespmem:s11], [sflag:$0x1] =	stream.indirect.gather @!p1 [hbm4b:s1+s0], $0x40, s26, s0, $0xb8;
	[tilespmem:$0x19D48] =	vst v63  }
0x3f: {  	_ =	swait.ge [sflag:s23], $0x3200  }
0x40: {  	[sflag:s23] =	ssyncset.done $0x0  }
0x41: {  	[sflag:s23] =	ssyncadd.s32 $0xFFFFCE00  }
0x42: {  	[hbm4b:s28+s15] =	stream.strided.scatter [tilespmem:s24], [sflag:$0xA], $0x3200, s16, s15, $0x38;
	[tilespmem:$0x19D48] =	vst v63  }
.LBB2_9:
0x43: {  	s29 =	sadd.s32 $0x1, s29  }
0x44: {  	p1 =	sne.s32 s29, $0x7D  }
.Ltmp3:
0x45: {  	_ = 	snop;
	(pc) =	sbr.rel @!p1 .LBB2_10-.Ltmp3, $2  }
0x46: {  	_ =	sdelay $0x2  }
0x47: {  	s28 =	sadd.s32 $0xC80, s28;
	s26 =	sadd.s32 $0xC8, s26  }
.LBB2_2:
0x48: {  	s30 =	smul.u32 $0xAB, s29;
	_ =	sdelay $0x1  }
0x49: {  	s30 =	sshrl.u32 s30, $0xA  }
0x4a: {  	s30 =	sand.u32 $0x3F, s30  }
0x4b: {  	s30 =	smul.u32 $0x6, s30;
	_ =	sdelay $0x1  }
0x4c: {  	s30 =	ssub.s32 s29, s30  }
0x4d: {  	s31 =	sand.u32 $0xFF, s30  }
0x4e: {  	p1 =	sgt.s32 s31, $0x2  }
.Ltmp4:
0x4f: {  	_ = 	snop;
	(pc) =	sbr.rel @p1 .LBB2_5-.Ltmp4, $2  }
0x50: {  	_ =	sdelay $0x2  }
0x51: {  	s30 =	sadd.s32 $0x3, s29  }
0x52: {  	p1 =	seq.s32 s31, $0x0  }
.Ltmp5:
0x53: {  	_ = 	snop;
	(pc) =	sbr.rel @p1 .LBB2_7-.Ltmp5, $1  }
0x54: {  	_ =	sdelay $0x3  }
0x55: {  	p1 =	seq.s32 s31, $0x1  }
0x56: {  	p2 =	sgt.u32 @p1 s29, $0x79  }
0x57: {  	p3 =	por p2, !p1  }
0x58: {  	s31 =	smul.u32 @!p3 $0xFFFFFFCD, s30;
	p4 =	slt.u32 @!p3 s29, $0x3  }
0x59: {  	p4 =	por @p1 p4, p2  }
0x5a: {  	s31 =	sadd.s32 @!p3 $0xFFFFFFCC, s31;
	p4 =	por p4, !p1  }
0x5b: {  	s31 =	sand.u32 @!p3 $0xFF, s31;
	s0 =	simm.s32 @!p4 $0xB  }
0x5c: {  	p3 =	sgt.u32 @!p3 s31, $0x32;
	_ =	swait.ge @!p4 [sflag:s0], $0x3200  }
0x5d: {  	p5 =	por @p1 !p3, p2;
	[sflag:s0] =	ssyncset.done @!p4 $0x0  }
0x5e: {  	p2 =	por @p1 p3, p2;
	p5 =	por p5, !p1;
	[sflag:s0] =	ssyncadd.s32 @!p4 $0xFFFFCE00  }
0x5f: {  	p2 =	por p2, !p1;
	s0 =	simm.s32 @!p5 $0xC8;
	s31 =	simm.s32 @!p5 $0x13948  }
0x60: {  	[tilespmem:s31], [sflag:$0x5] =	stream.indirect.gather @!p5 [spmem:s2], $0x40, s26, s0, $0xb8;
	[tilespmem:$0x19D48] =	vst v63  }
0x61: {  	s0 =	simm.s32 @!p2 $0xC8;
	s31 =	simm.s32 @!p2 $0x13948  }
0x62: {  	[tilespmem:s31], [sflag:$0x5] =	stream.indirect.gather @!p2 [hbm4b:s1+s0], $0x40, s26, s0, $0xb8;
	[tilespmem:$0x19D48] =	vst v63  }
0x63: {  	s0 =	simm.s32 @p1 $0x2  }
0x64: {  	s11 =	simm.s32 @p1 $0xA348;
	_ =	swait.ge @p1 [sflag:s0], $0x3200  }
0x65: {  	s31 =	simm.s32 @p1 $0x80;
	p2 =	sgt.u32 @!p1 s29, $0x79;
	[sflag:s0] =	ssyncset.done @p1 $0x0  }
0x66: {  	p3 =	por p2, p1;
	[sflag:s0] =	ssyncadd.s32 @p1 $0xFFFFCE00;
	s0 =	simm.s32 @p1 $0x40  }
0x67: {  	[hbm4b:s28+s0] =	stream.strided.scatter @p1 [tilespmem:s11], [sflag:$0x8], $0x3200, s31, s0, $0x38;
	[tilespmem:$0x19D48] =	vst v63  }
0x68: {  	p4 =	slt.u32 @!p3 s29, $0x3;
	s0 =	smul.u32 @!p3 $0xFFFFFFCD, s30  }
0x69: {  	p4 =	por @!p1 p4, p2  }
0x6a: {  	p4 =	por p4, p1;
	s0 =	sadd.s32 @!p3 $0xFFFFFFCC, s0  }
0x6b: {  	s11 =	simm.s32 @!p4 $0xC;
	s0 =	sand.u32 @!p3 $0xFF, s0  }
0x6c: {  	_ =	swait.ge @!p4 [sflag:s11], $0x3200;
	p3 =	sgt.u32 @!p3 s0, $0x32  }
0x6d: {  	[sflag:s11] =	ssyncset.done @!p4 $0x0;
	p5 =	por @!p1 !p3, p2  }
0x6e: {  	[sflag:s11] =	ssyncadd.s32 @!p4 $0xFFFFCE00;
	p2 =	por @!p1 p3, p2;
	p5 =	por p5, p1  }
0x6f: {  	p2 =	por p2, p1;
	s0 =	simm.s32 @!p5 $0xC8;
	s11 =	simm.s32 @!p5 $0x16B48  }
0x70: {  	[tilespmem:s11], [sflag:$0x6] =	stream.indirect.gather @!p5 [spmem:s2], $0x40, s26, s0, $0xb8;
	[tilespmem:$0x19D48] =	vst v63  }
0x71: {  	s0 =	simm.s32 @!p2 $0xC8;
	s11 =	simm.s32 @!p2 $0x16B48  }
0x72: {  	[tilespmem:s11], [sflag:$0x6] =	stream.indirect.gather @!p2 [hbm4b:s1+s0], $0x40, s26, s0, $0xb8;
	[tilespmem:$0x19D48] =	vst v63  }
.Ltmp6:
0x73: {  	s0 =	simm.s32 @!p1 $0x3;
	(pc) =	sbr.rel .LBB2_9-.Ltmp6, $4  }
0x74: {  	_ =	swait.ge @!p1 [sflag:s0], $0x3200  }
0x75: {  	s30 =	simm.s32 @!p1 $0xD548;
	[sflag:s0] =	ssyncset.done @!p1 $0x0  }
0x76: {  	s11 =	simm.s32 @!p1 $0x80;
	[sflag:s0] =	ssyncadd.s32 @!p1 $0xFFFFCE00;
	s0 =	simm.s32 @!p1 $0x40  }
0x77: {  	[hbm4b:s28+s0] =	stream.strided.scatter @!p1 [tilespmem:s30], [sflag:$0x9], $0x3200, s11, s0, $0x38;
	[tilespmem:$0x19D48] =	vst v63  }
.LBB2_5:
0x78: {  	p1 =	seq.s32 s31, $0x3  }
.Ltmp7:
0x79: {  	_ = 	snop;
	(pc) =	sbr.rel @p1 .LBB2_8-.Ltmp7, $1  }
0x7a: {  	_ =	sdelay $0x3  }
0x7b: {  	p1 =	seq.s32 s31, $0x4  }
0x7c: {  	p2 =	sgt.u32 @p1 s29, $0x79  }
0x7d: {  	p3 =	por p2, !p1  }
0x7e: {  	s0 =	smul.u32 @!p3 $0xFFFFFFCD, s30;
	_ =	sdelay $0x1  }
0x7f: {  	s0 =	sadd.s32 @!p3 $0xFFFFFFCC, s0  }
0x80: {  	s11 =	simm.s32 @!p3 $0x8;
	s0 =	sand.u32 @!p3 $0xFF, s0  }
0x81: {  	_ =	swait.ge @!p3 [sflag:s11], $0x3200;
	p4 =	sgt.u32 @!p3 s0, $0x32  }
0x82: {  	[sflag:s11] =	ssyncset.done @!p3 $0x0;
	p5 =	por @p1 !p4, p2  }
0x83: {  	[sflag:s11] =	ssyncadd.s32 @!p3 $0xFFFFCE00;
	p2 =	por @p1 p4, p2;
	p5 =	por p5, !p1  }
0x84: {  	p2 =	por p2, !p1;
	s0 =	simm.s32 @!p5 $0xC8;
	s11 =	simm.s32 @!p5 $0xA348  }
0x85: {  	[tilespmem:s11], [sflag:$0x2] =	stream.indirect.gather @!p5 [spmem:s2], $0x40, s26, s0, $0xb8;
	[tilespmem:$0x19D48] =	vst v63  }
0x86: {  	s0 =	simm.s32 @!p2 $0xC8;
	s11 =	simm.s32 @!p2 $0xA348  }
0x87: {  	[tilespmem:s11], [sflag:$0x2] =	stream.indirect.gather @!p2 [hbm4b:s1+s0], $0x40, s26, s0, $0xb8;
	[tilespmem:$0x19D48] =	vst v63  }
0x88: {  	s0 =	simm.s32 @p1 $0x5  }
0x89: {  	s31 =	simm.s32 @p1 $0x13948;
	p2 =	sgt.u32 @!p1 s29, $0x79;
	_ =	swait.ge @p1 [sflag:s0], $0x3200  }
0x8a: {  	s11 =	simm.s32 @p1 $0x80;
	p3 =	por p2, p1;
	[sflag:s0] =	ssyncset.done @p1 $0x0  }
0x8b: {  	s30 =	smul.u32 @!p3 $0xFFFFFFCD, s30;
	[sflag:s0] =	ssyncadd.s32 @p1 $0xFFFFCE00;
	s0 =	simm.s32 @p1 $0x40  }
0x8c: {  	[hbm4b:s28+s0] =	stream.strided.scatter @p1 [tilespmem:s31], [sflag:$0xB], $0x3200, s11, s0, $0x38;
	[tilespmem:$0x19D48] =	vst v63  }
0x8d: {  	s0 =	sadd.s32 @!p3 $0xFFFFFFCC, s30  }
0x8e: {  	s11 =	simm.s32 @!p3 $0x9;
	s0 =	sand.u32 @!p3 $0xFF, s0  }
0x8f: {  	_ =	swait.ge @!p3 [sflag:s11], $0x3200;
	p4 =	sgt.u32 @!p3 s0, $0x32  }
0x90: {  	[sflag:s11] =	ssyncset.done @!p3 $0x0;
	p5 =	por @!p1 !p4, p2  }
0x91: {  	[sflag:s11] =	ssyncadd.s32 @!p3 $0xFFFFCE00;
	p2 =	por @!p1 p4, p2;
	p5 =	por p5, p1  }
0x92: {  	p2 =	por p2, p1;
	s0 =	simm.s32 @!p5 $0xC8;
	s11 =	simm.s32 @!p5 $0xD548  }
0x93: {  	[tilespmem:s11], [sflag:$0x3] =	stream.indirect.gather @!p5 [spmem:s2], $0x40, s26, s0, $0xb8;
	[tilespmem:$0x19D48] =	vst v63  }
0x94: {  	s0 =	simm.s32 @!p2 $0xC8;
	s11 =	simm.s32 @!p2 $0xD548  }
0x95: {  	[tilespmem:s11], [sflag:$0x3] =	stream.indirect.gather @!p2 [hbm4b:s1+s0], $0x40, s26, s0, $0xb8;
	[tilespmem:$0x19D48] =	vst v63  }
.Ltmp8:
0x96: {  	s0 =	simm.s32 @!p1 $0x6;
	(pc) =	sbr.rel .LBB2_9-.Ltmp8, $4  }
0x97: {  	_ =	swait.ge @!p1 [sflag:s0], $0x3200  }
0x98: {  	s30 =	simm.s32 @!p1 $0x16B48;
	[sflag:s0] =	ssyncset.done @!p1 $0x0  }
0x99: {  	s11 =	simm.s32 @!p1 $0x80;
	[sflag:s0] =	ssyncadd.s32 @!p1 $0xFFFFCE00;
	s0 =	simm.s32 @!p1 $0x40  }
0x9a: {  	[hbm4b:s28+s0] =	stream.strided.scatter @!p1 [tilespmem:s30], [sflag:$0xC], $0x3200, s11, s0, $0x38;
	[tilespmem:$0x19D48] =	vst v63  }
.LBB2_7:
0x9b: {  	p1 =	sgt.u32 s29, $0x79  }
0x9c: {  	s0 =	smul.u32 @!p1 $0xFFFFFFCD, s30;
	p2 =	slt.u32 @!p1 s29, $0x3  }
0x9d: {  	p2 =	por p2, p1  }
0x9e: {  	s0 =	sadd.s32 @!p1 $0xFFFFFFCC, s0;
	s11 =	simm.s32 @!p2 $0xA  }
0x9f: {  	s0 =	sand.u32 @!p1 $0xFF, s0;
	_ =	swait.ge @!p2 [sflag:s11], $0x3200  }
0xa0: {  	p3 =	sgt.u32 @!p1 s0, $0x32;
	[sflag:s11] =	ssyncset.done @!p2 $0x0  }
0xa1: {  	p4 =	por !p3, p1;
	[sflag:s11] =	ssyncadd.s32 @!p2 $0xFFFFCE00  }
0xa2: {  	p1 =	por p3, p1;
	s0 =	simm.s32 @!p4 $0xC8;
	s11 =	simm.s32 @!p4 $0x10748  }
0xa3: {  	[tilespmem:s11], [sflag:$0x4] =	stream.indirect.gather @!p4 [spmem:s2], $0x40, s26, s0, $0xb8;
	[tilespmem:$0x19D48] =	vst v63  }
0xa4: {  	s0 =	simm.s32 @!p1 $0xC8;
	s11 =	simm.s32 @!p1 $0x10748  }
0xa5: {  	[tilespmem:s11], [sflag:$0x4] =	stream.indirect.gather @!p1 [hbm4b:s1+s0], $0x40, s26, s0, $0xb8;
	[tilespmem:$0x19D48] =	vst v63  }
.Ltmp9:
0xa6: {  	_ = 	snop;
	(pc) =	sbr.rel .LBB2_9-.Ltmp9, $4  }
0xa7: {  	_ =	swait.ge [sflag:s14], $0x3200  }
0xa8: {  	[sflag:s14] =	ssyncset.done $0x0  }
0xa9: {  	[sflag:s14] =	ssyncadd.s32 $0xFFFFCE00  }
0xaa: {  	[hbm4b:s28+s15] =	stream.strided.scatter [tilespmem:s10], [sflag:$0x7], $0x3200, s16, s15, $0x38;
	[tilespmem:$0x19D48] =	vst v63  }
.LBB2_11:
0xab: {  	_ =	sfence.sel $0x180000  }
0xac: {  	[bflag:$0x0] =	sbarrier.arrive $0xFFFF  }
0xad: {  	_ =	strace $0x90000047  }
0xae: {  	[bflag:$0x2] =	sbarrier.arrive $0xFFFF  }
0xaf: {  	s0 =	rddreg [dreg:$0x4]  }
0xb0: {  	s0 =	sadd.s32 @!p0 $0x100000, s0  }
0xb1: {  	[sflag:s0] =	ssyncadd.tile.s32 @!p0 $0x1;
	_ =	shalt  }
.Lfunc_end2:
_tile_overlayer_lowered:
.L_overlay_start_2:
0xb2: {  	(tag) =	ssettag $0x2  }
0xb3: {  	s0 =	rddreg [dreg:$0x0];
	s2 =	stileid.u32  }
0xb4: {  	s1 =	rddreg [dreg:$0x1];
	p0 =	sne.s32 s2, $0x0  }
0xb5: {  	s3 =	rddreg [dreg:$0x2];
	[bflag:$0x3] =	sbarrier.arrive $0xFFFF;
	s2 =	simm.s32 @!p0 $0x1C0D  }
0xb6: {  	[timem:s3], [sflag:s2] =	dma.local @!p0 [hbm:s0], s1  }
0xb7: {  	s0 =	simm.s32 @!p0 $0xD  }
0xb8: {  	_ =	swait.ge @!p0 [sflag:s0], s1  }
0xb9: {  	s1 =	ssub.s32 @!p0 $0x0, s1;
	[sflag:s0] =	ssyncset.done @!p0 $0x0  }
0xba: {  	[sflag:s0] =	ssyncadd.s32 @!p0 s1  }
0xbb: {  	[bflag:$0x3] =	sbarrier.arrive $0xFFFF  }
0xbc: {  	_ =	shalt  }

// kernel: sparse-core-data-format-call.cloned.1.call-start
scs
called_computation_lowered:
.L_overlay_start_0:
0x0: {  	s2 =	sld [smem:$0x3FD9]  }
0x1: {  	s3 =	sld [smem:$0x3FFE];
	_ =	sdelay $0x1  }
0x2: {  	s1 =	srdreg.scid  }
0x3: {  	s0 =	sand.u32 $0x1, s1  }
0x4: {  	s18 =	sshll.u32 s0, $0xA;
	s2 =	sadd.s32 s3, s2  }
0x5: {  	s2 =	sadd.s32 s2, s18  }
0x6: {  	[smem:$0x3FC5] =	sst s2  }
0x7: {  	_ = 	snop  }
0x8: {  	s2 =	sld [smem:$0x3FD0];
	(tm) =	ssettm $0x1  }
0x9: {  	s19 =	sld [smem:$0x3FFB];
	_ =	sdelay $0x3  }
0xa: {  	_ =	strace s19  }
0xb: {  	s3 =	sld [smem:$0x3FFC];
	_ =	sdelay $0x3  }
0xc: {  	_ =	strace s3  }
0xd: {  	s3 =	sld [smem:$0x3FFD];
	_ =	sdelay $0x3  }
0xe: {  	_ =	strace s3  }
0xf: {  	_ =	strace $0x8FFFFFFF  }
0x10: {  	s20 =	sld [smem:$0x3FDB];
	_ =	sdelay $0x1  }
0x11: {  	s4 =	simm.s32 $_scs_section_size  }
0x12: {  	s5 =	simm.s32 $_size__tile_overlayer_lowered;
	s6 =	simm.s32 $_tile_overlayer_lowered  }
0x13: {  	s23 =	simm.s32 $0x1BFF;
	s22 =	sshll.u32 s6, $0x1;
	s3 =	sadd.s32 s4, s20  }
0x14: {  	s7 =	simm.s32 $0x0;
	s21 =	sshll.u32 s5, $0x1;
	s5 =	sadd.s32 s22, s3  }
0x15: {  	[timem:s7], [sflag:s23] =	dma.local [hbm:s5], s21  }
0x16: {  	_ =	swait.ge [sflag:s23], s21  }
0x17: {  	s4 =	ssub.s32 $0x0, s21;
	[sflag:s23] =	ssyncset.done $0x0  }
0x18: {  	[sflag:s23] =	ssyncadd.s32 s4;
	_ =	sdelay $0x1  }
0x19: {  	s24 =	simm.s32 $0x1B8B  }
0x1a: {  	_ =	swait.ge [sflag:s24], $0x1  }
0x1b: {  	[sflag:s24] =	ssyncset.done $0x0  }
0x1c: {  	s26 =	simm.s32 $0x1B8E;
	s25 =	sld [smem:$0x3FFE];
	[sflag:s24] =	ssyncadd.s32 $0xFFFFFFFF  }
0x1d: {  	s27 =	simm.s32 $execute0_lowered;
	[smem:$0x3FD2] =	sst s26  }
0x1e: {  	s5 =	sshll.u32 s27, $0x1;
	_ =	strace $0x80000049;
	[dreg:$0x1] =	wrdreg $0xFFFFFFFF  }
0x1f: {  	s28 =	simm.s32 $_size_execute0_lowered;
	s3 =	sadd.s32 s3, s5;
	[dreg:$0x0] =	wrdreg $0x0  }
0x20: {  	s5 =	sshll.u32 s28, $0x1;
	[dreg:$0x2] =	wrdreg s3  }
0x21: {  	[dreg:$0x3] =	wrdreg s5  }
0x22: {  	[dreg:$0x4] =	wrdreg $0xC0  }
0x23: {  	_ =	task [dreg:s7], $0x5FFFF  }
0x24: {  	[dreg:$0x1] =	wrdreg $0xFFFFFFFF  }
0x25: {  	[dreg:$0x0] =	wrdreg $0x60  }
0x26: {  	[dreg:$0x2] =	wrdreg s25  }
0x27: {  	[dreg:$0x3] =	wrdreg s2  }
0x28: {  	[dreg:$0x4] =	wrdreg $0x9  }
0x29: {  	_ =	task.clear_ibuf [dreg:s7], $0x5FFFF;
	_ =	strace $0x90000049  }
0x2a: {  	s29 =	simm.s32 $0x9;
	_ =	strace $0x8000004B  }
0x2b: {  	_ =	swait.ge [sflag:s29], $0x1  }
0x2c: {  	[sflag:s29] =	ssyncadd.s32 $0xFFFFFFFF  }
0x2d: {  	_ =	strace $0x9000004B  }
0x2e: {  	_ =	sfence  }
0x2f: {  	s30 =	sld [smem:$0x0];
	_ =	sdelay $0x2  }
0x30: {  	s31 =	sshll.u32 s1, $0xD;
	s1 =	sshrl.u32 s1, $0x2  }
0x31: {  	s3 =	sand.u32 $0x4000, s31;
	s1 =	sadd.s32 s1, s30  }
0x32: {  	s0 =	sor.u32 s3, s0;
	s1 =	sshll.u32 s1, $0x11  }
0x33: {  	s0 =	sor.u32 s1, s0  }
0x34: {  	s0 =	sadd.s32 $0x8F2B, s0  }
0x35: {  	[sflag:s0] =	ssyncadd.remote.s32 $0x1  }
0x36: {  	_ =	sfence.sel $0xFFFF  }
0x37: {  	[dreg:$0x0] =	wrdreg $0xFFFFFFFF;
	(pc) =	sbr.abs _section_cstart, $3  }
0x38: {  	[dreg:$0x1] =	wrdreg $0xFFFFFFFF  }
0x39: {  	_ =	task.clear_ibuf [dreg:s7], $0x2FFFF;
	_ =	strace $0x9FFFFFFF  }
0x3a: {  	(tm) =	ssettm $0x7FFFFFFF  }
0x3b: {  	_ =	shalt  }
tec
execute0_lowered:
.L_overlay_start_1:
0x0: {  	(tag) =	ssettag $0x1  }
0x1: {  	s0 =	srdreg.scid  }
0x2: {  	s1 =	sshll.u32 s0, $0x4  }
0x3: {  	s4 =	rddreg [dreg:$0x0];
	s0 =	stileid.u32;
	s1 =	sand.u32 $0x10, s1  }
0x4: {  	s2 =	rddreg [dreg:$0x1];
	s7 =	simm.s32 $0x1;
	s1 =	sor.u32 s0, s1  }
0x5: {  	s8 =	simm.s32 $0x2;
	s11 =	simm.s32 $0x0;
	s3 =	sshll.u32 s1, $0x7  }
0x6: {  	s10 =	simm.s32 $0x0;
	s4 =	sadd.s32 $0xA00, s4;
	s6 =	ssub.s32 $0xC3500, s3  }
.Ltmp0:
0x7: {  	s1 =	rddreg [dreg:$0x2];
	s5 =	sand.u32 $0xF80, s6;
	(pc) =	sbr.rel .LBB1_1-.Ltmp0, $4  }
0x8: {  	_ =	strace $0x8000004A;
	s9 =	smov.u32 s3;
	p0 =	sne.s32 s5, $0x0  }
0x9: {  	s6 =	sshrl.u32 s6, $0xC;
	s5 =	simm.s32 $0x1;
	s7 =	simm.s32 @!p0 $0x0  }
0xa: {  	[sflag:s5] =	ssyncpa.u1 $0x0;
	p0 =	por $0x0, $0x0;
	s6 =	sadd.s32 s7, s6  }
0xb: {  	[sflag:s8] =	ssyncpa.u1 $0x0;
	s8 =	simm.s32 $0x61A800;
	s7 =	sadd.s32 $0x1, s6  }
.LBB1_4:
0xc: {  	s14 =	sshll.u32 s11, $0x3  }
0xd: {  	s14 =	sand.u32 $0xFFFFFC00, s14  }
0xe: {  	s15 =	sshrl.u32 s14, $0x8  }
0xf: {  	s15 =	smulhi.u32 $0x14F8B59, s15;
	_ =	sdelay $0x1  }
0x10: {  	s15 =	sshrl.u32 s15, $0x4  }
0x11: {  	s28 =	sand.u32 $0x7F, s11;
	s16 =	smul.u32 $0xC3500, s15  }
0x12: {  	s11 =	sor.u32 s28, s14  }
0x13: {  	s29 =	sand.u32 $0x3F, s15;
	s11 =	ssub.s32 s11, s16  }
0x14: {  	[tilespmem:s13+$0x810 ss:$0x81] =	vst.msk $0xffff, v2;
	s14 =	smul.u32 $0x186A0, s29;
	s30 =	sshrl.u32 s11, $0x3;
	s11 =	sand.u32 $0x7, s11  }
0x15: {  	[tilespmem:s13+$0x1020 ss:$0x81] =	vst.msk $0xffff, v0;
	s15 =	sadd.s32 s2, s30;
	s11 =	sshll.u32 s11, $0x12  }
0x16: {  	[tilespmem:s13+$0x0 ss:$0x81] =	vst.msk $0xffff, v1;
	s31 =	sadd.s32 s14, s15;
	s11 =	sor.u32 $0x400, s11  }
0x17: {  	[hbm4b:s31+s11] =	stream.strided.scatter [tilespmem:s12], [sflag:$0x2], $0x2000, s8, s11, $0x20;
	[tilespmem:$0x8080] =	vst v63  }
.LBB1_5:
0x18: {  	s13 =	sadd.s32 $0x1000, s9  }
0x19: {  	p2 =	sgt.s32 s13, $0xC34FF  }
0x1a: {  	s13 =	smov.u32 @p2 s3;
	p2 =	sne.s32 s10, s7  }
.Ltmp1:
0x1b: {  	p1 =	slt.u32 s10, $0x2;
	(pc) =	sbr.rel @!p2 .LBB1_6-.Ltmp1, $4  }
0x1c: {  	s12 =	simm.s32 @!p1 $0x2  }
0x1d: {  	s14 =	sadd.s32 $0x1, s10;
	_ =	swait.ge @!p1 [sflag:s12], $0x2000  }
0x1e: {  	s11 =	smov.u32 s9;
	p0 =	por !p0, !p0;
	[sflag:s12] =	ssyncset.done @!p1 $0x0  }
0x1f: {  	s10 =	smov.u32 s14;
	s9 =	smov.u32 s13;
	[sflag:s12] =	ssyncadd.s32 @!p1 $0xFFFFE000  }
.LBB1_1:
0x20: {  	p1 =	sge.u32 s10, s6  }
0x21: {  	s12 =	sand.u32 @!p1 $0x1FFFFFF, s9  }
0x22: {  	s13 =	smulhi.u32 @!p1 $0x14F8B59, s12;
	_ =	sdelay $0x1  }
0x23: {  	s13 =	sshrl.u32 @!p1 s13, $0xC  }
0x24: {  	s13 =	smul.u32 @!p1 $0xC3500, s13;
	_ =	sdelay $0x1  }
0x25: {  	s31 =	sadd.s32 $0xFFFFFFFF, s10;
	s14 =	sxor.u32 @!p1 $0xFFFFFFFF, s10;
	s12 =	ssub.s32 @!p1 s12, s13  }
0x26: {  	s15 =	simm.s32 @!p1 $0x80;
	s14 =	sshll.u32 @!p1 s14, $0xD;
	s12 =	sshll.u32 @!p1 s12, $0x4  }
0x27: {  	s13 =	sand.u32 @!p1 $0x2000, s14;
	s14 =	simm.s32 @!p1 $0x40;
	s12 =	sadd.s32 @!p1 s4, s12  }
0x28: {  	[tilespmem:s13], [sflag:$0x1] =	stream.strided.gather @!p1 [hbm4b:s12+s14], $0x2000, s15, s14, $0x38;
	[tilespmem:$0x8080] =	vst v63  }
0x29: {  	p1 =	sge.u32 s31, s6  }
.Ltmp2:
0x2a: {  	_ = 	snop;
	(pc) =	sbr.rel @p1 .LBB1_5-.Ltmp2, $1  }
0x2b: {  	_ =	sdelay $0x3  }
0x2c: {  	s12 =	simm.s32 $0x1  }
0x2d: {  	_ =	swait.ge [sflag:s5], $0x2000;
	s12 =	simm.s32 @!p0 $0x0  }
0x2e: {  	[sflag:s5] =	ssyncset.done $0x0;
	s13 =	sshll.u32 s12, $0xD  }
0x2f: {  	[sflag:s5] =	ssyncadd.s32 $0xFFFFE000;
	s16 =	sor.u32 $0x20, s13  }
0x30: {  	s12 =	smul.u32 $0x8100, s12;
	v3 =	vld [tilespmem:s16+$0x10]  }
0x31: {  	s30 =	sand.u32 $0x1, s10;
	v2 =	vld [tilespmem:s16+$0xFFFFFFF0]  }
0x32: {  	s13 =	smul.u32 $0x8100, s30;
	s12 =	sshrl.u32 s12, $0x2;
	v0 =	vld [tilespmem:s16+$0x0]  }
0x33: {  	v1 =	vld [tilespmem:s16+$0xFFFFFFE0];
	s14 =	sor.u32 $0x4000, s12  }
0x34: {  	s31 =	sshrl.u32 s13, $0x2;
	s13 =	sadd.s32 $0x0, s14  }
0x35: {  	s15 =	simm.s32 $0x4;
	s16 =	sadd.s32 $0x40, s16;
	s12 =	sor.u32 $0x4000, s31;
	[tilespmem:s13+$0x1830 ss:$0x81] =	vst.msk $0xffff, v3  }
.LBB1_3:
0x36: {  	v3 =	vld [tilespmem:s16+$0x10];
	p1 =	sne.s32 s15, $0x1FC;
	[tilespmem:s13+$0x810 ss:$0x81] =	vst.msk $0xffff, v2;
	s17 =	smov.u32 s15;
	s15 =	sadd.s32 $0x4, s15  }
.Ltmp3:
0x37: {  	v2 =	vld [tilespmem:s16+$0xFFFFFFF0];
	[tilespmem:s13+$0x1020 ss:$0x81] =	vst.msk $0xffff, v0;
	(pc) =	sbr.rel @p1 .LBB1_3-.Ltmp3, $4  }
0x38: {  	v0 =	vld [tilespmem:s16+$0x0];
	[tilespmem:s13+$0x0 ss:$0x81] =	vst.msk $0xffff, v1  }
0x39: {  	s13 =	sshra.s32 s17, $0x2;
	v1 =	vld [tilespmem:s16+$0xFFFFFFE0]  }
0x3a: {  	s13 =	sadd.s32 s13, s14  }
0x3b: {  	s16 =	sadd.s32 $0x40, s16;
	[tilespmem:s13+$0x1830 ss:$0x81] =	vst.msk $0xffff, v3  }
.Ltmp4:
0x3c: {  	_ = 	snop;
	(pc) =	sbr.rel .LBB1_4-.Ltmp4, $1  }
0x3d: {  	_ =	sdelay $0x3  }
.LBB1_6:
0x3e: {  	_ =	sfence.sel $0x180000  }
0x3f: {  	s2 =	simm.s32 $0x1;
	[bflag:$0x0] =	sbarrier.arrive $0xFFFF  }
0x40: {  	s31 =	simm.s32 $0x2;
	[sflag:s2] =	ssyncpa.u1 $0x1  }
0x41: {  	[sflag:s31] =	ssyncpa.u1 $0x1  }
0x42: {  	p0 =	sne.s32 s0, $0x0;
	_ =	strace $0x9000004A  }
0x43: {  	s0 =	sadd.s32 @!p0 $0x100000, s1;
	[bflag:$0x2] =	sbarrier.arrive $0xFFFF  }
0x44: {  	[sflag:s0] =	ssyncadd.tile.s32 @!p0 $0x1;
	_ =	shalt  }
.Lfunc_end1:
_tile_overlayer_lowered:
.L_overlay_start_2:
0x45: {  	(tag) =	ssettag $0x2  }
0x46: {  	s0 =	rddreg [dreg:$0x0];
	s2 =	stileid.u32  }
0x47: {  	s1 =	rddreg [dreg:$0x1];
	p0 =	sne.s32 s2, $0x0  }
0x48: {  	s3 =	rddreg [dreg:$0x2];
	[bflag:$0x3] =	sbarrier.arrive $0xFFFF;
	s2 =	simm.s32 @!p0 $0x1C01  }
0x49: {  	[timem:s3], [sflag:s2] =	dma.local @!p0 [hbm:s0], s1  }
0x4a: {  	s0 =	simm.s32 @!p0 $0x1  }
0x4b: {  	_ =	swait.ge @!p0 [sflag:s0], s1  }
0x4c: {  	s1 =	ssub.s32 @!p0 $0x0, s1;
	[sflag:s0] =	ssyncset.done @!p0 $0x0  }
0x4d: {  	[sflag:s0] =	ssyncadd.s32 @!p0 s1  }
0x4e: {  	[bflag:$0x3] =	sbarrier.arrive $0xFFFF  }
0x4f: {  	_ =	shalt  }

</sc_bundles>
